<compile_context>
chip_gen: v7x
topology: tpu7x:2x2x1
jax: 0.10.2.dev20260603
libtpu: 0.0.44.dev20260713+nightly
codegen_flags: <defaults>
</compile_context>

<pallas_src>
import functools

import jax
import jax.numpy as jnp
from jax import lax
from jax.experimental import pallas as pl
from jax.experimental.pallas import tpu as pltpu
from jax.experimental.pallas import tpu_sc as plsc

N = 10000
E = 320000
D = 128
HID = 128
NUM_LABELS = 1000
EMB = 32
G = 64

NP = 10240
BLK = 2048
NBLK = NP // BLK
CH = 128
NCH = 80
NCH0 = 148
NCH1 = 12
EPT = CH * NCH
NTILES = 32
EPAD = EPT * NTILES
ROWS_PER_TILE = NP // 16
DEGW = 128


def _make_sc_conv_body(do_gather):
    def body_fn(g_hbm, src_hbm, dst_hbm, zeros_hbm, ones_hbm, out_hbm,
                s0, s1, d0, d1, rows0, rows1, accum,
                isem, gsem0, gsem1, ssem0, ssem1):
        cid = lax.axis_index("c")
        sid = lax.axis_index("s")
        pltpu.sync_copy(zeros_hbm, accum.at[pl.ds(sid * ROWS_PER_TILE, ROWS_PER_TILE)])
        if not do_gather:
            nch = NCH
            cbase = (cid * 16 + sid) * NCH
            pltpu.sync_copy(ones_hbm, rows0)
            pltpu.sync_copy(ones_hbm, rows1)
        else:
            nch = jnp.where(cid == 0, NCH0, NCH1)
            cbase = cid * 16 * NCH0 + sid * nch
        plsc.subcore_barrier()

        def body(i, carry):
            a = cbase + 2 * i
            b = a + 1
            ia_s = pltpu.async_copy(src_hbm.at[a], s0, isem)
            ia_d = pltpu.async_copy(dst_hbm.at[a], d0, isem)
            ib_s = pltpu.async_copy(src_hbm.at[b], s1, isem)
            ib_d = pltpu.async_copy(dst_hbm.at[b], d1, isem)
            ia_s.wait()
            ia_d.wait()
            ib_s.wait()
            ib_d.wait()
            if do_gather:
                ga = pltpu.async_copy(g_hbm.at[s0], rows0, gsem0)
                gb = pltpu.async_copy(g_hbm.at[s1], rows1, gsem1)
                ga.wait()
                gb.wait()
            sa = pltpu.async_copy(rows0, accum.at[d0], ssem0, add=True)
            sb = pltpu.async_copy(rows1, accum.at[d1], ssem1, add=True)
            sa.wait()
            sb.wait()
            return carry

        lax.fori_loop(0, nch // 2, body, 0)
        plsc.subcore_barrier()
        pltpu.sync_copy(
            accum.at[pl.ds(sid * ROWS_PER_TILE, ROWS_PER_TILE)],
            out_hbm.at[cid, pl.ds(sid * ROWS_PER_TILE, ROWS_PER_TILE)],
        )
    return body_fn


@functools.cache
def _sc_conv_kernel(do_gather):
    mesh = plsc.VectorSubcoreMesh(core_axis_name="c", subcore_axis_name="s")
    return pl.kernel(
        _make_sc_conv_body(do_gather),
        out_type=jax.ShapeDtypeStruct((2, NP, HID), jnp.float32),
        mesh=mesh,
        scratch_types=[
            pltpu.VMEM((CH,), jnp.int32),
            pltpu.VMEM((CH,), jnp.int32),
            pltpu.VMEM((CH,), jnp.int32),
            pltpu.VMEM((CH,), jnp.int32),
            pltpu.VMEM((CH, HID), jnp.float32),
            pltpu.VMEM((CH, HID), jnp.float32),
            pltpu.VMEM_SHARED((NP, HID), jnp.float32),
            pltpu.SemaphoreType.DMA,
            pltpu.SemaphoreType.DMA,
            pltpu.SemaphoreType.DMA,
            pltpu.SemaphoreType.DMA,
            pltpu.SemaphoreType.DMA,
        ],
    )


def _sc_conv(g, src_pad3, dst_pad3, zeros_acc, ones_rows, do_gather=True):
    return _sc_conv_kernel(do_gather)(g, src_pad3, dst_pad3, zeros_acc, ones_rows)



def _tc_h1_body(x_ref, drnl_ref, degp_ref, emb_ref, w1x_ref, w1e_ref,
                h1_ref, g1_ref):
    cls_tab = jnp.dot(emb_ref[...], w1e_ref[...],
                      preferred_element_type=jnp.float32)
    dr = drnl_ref[0, 0, :]
    oh = (lax.broadcasted_iota(jnp.int32, (BLK, NUM_LABELS), 1)
          == dr[:, None]).astype(jnp.float32)
    h = (jnp.dot(x_ref[...], w1x_ref[...], preferred_element_type=jnp.float32)
         + jnp.dot(oh, cls_tab, preferred_element_type=jnp.float32))
    deg = 1.0 + degp_ref[0] + degp_ref[1]
    dinv = lax.rsqrt(deg[:, 0:1])
    h1_ref[...] = h
    g1_ref[...] = h * dinv


def _tc_h1(x_pad, drnl2d, degp, emb, w1x, w1e):
    return pl.pallas_call(
        _tc_h1_body,
        grid=(NBLK,),
        in_specs=[
            pl.BlockSpec((BLK, D), lambda i: (i, 0)),
            pl.BlockSpec((1, 1, BLK), lambda i: (i, 0, 0)),
            pl.BlockSpec((2, BLK, DEGW), lambda i: (0, i, 0)),
            pl.BlockSpec((NUM_LABELS, EMB), lambda i: (0, 0)),
            pl.BlockSpec((D, HID), lambda i: (0, 0)),
            pl.BlockSpec((EMB, HID), lambda i: (0, 0)),
        ],
        out_specs=[
            pl.BlockSpec((BLK, HID), lambda i: (i, 0)),
            pl.BlockSpec((BLK, HID), lambda i: (i, 0)),
        ],
        out_shape=[
            jax.ShapeDtypeStruct((NP, HID), jnp.float32),
            jax.ShapeDtypeStruct((NP, HID), jnp.float32),
        ],
    )(x_pad, drnl2d, degp, emb, w1x, w1e)


def _tc_mid_body(sp_ref, h1_ref, degp_ref, w2_ref, b1_ref, h2_ref, g2_ref):
    deg = 1.0 + degp_ref[0] + degp_ref[1]
    dinv = lax.rsqrt(deg[:, 0:1])
    s = sp_ref[0] + sp_ref[1]
    z1 = jax.nn.relu(dinv * s + (dinv * dinv) * h1_ref[...] + b1_ref[...])
    h2 = jnp.dot(z1, w2_ref[...], preferred_element_type=jnp.float32)
    h2_ref[...] = h2
    g2_ref[...] = h2 * dinv


def _tc_mid(sp, h1, degp, w2, b1_2d):
    return pl.pallas_call(
        _tc_mid_body,
        grid=(NBLK,),
        in_specs=[
            pl.BlockSpec((2, BLK, HID), lambda i: (0, i, 0)),
            pl.BlockSpec((BLK, HID), lambda i: (i, 0)),
            pl.BlockSpec((2, BLK, DEGW), lambda i: (0, i, 0)),
            pl.BlockSpec((HID, HID), lambda i: (0, 0)),
            pl.BlockSpec((1, HID), lambda i: (0, 0)),
        ],
        out_specs=[
            pl.BlockSpec((BLK, HID), lambda i: (i, 0)),
            pl.BlockSpec((BLK, HID), lambda i: (i, 0)),
        ],
        out_shape=[
            jax.ShapeDtypeStruct((NP, HID), jnp.float32),
            jax.ShapeDtypeStruct((NP, HID), jnp.float32),
        ],
    )(sp, h1, degp, w2, b1_2d)


def _tc_pool_body(sp_ref, h2_ref, degp_ref, b2_ref, batch_ref,
                  z2_ref, hpool_ref, cnt_ref):
    i = pl.program_id(0)
    deg = 1.0 + degp_ref[0] + degp_ref[1]
    dinv = lax.rsqrt(deg[:, 0:1])
    s = sp_ref[0] + sp_ref[1]
    z2 = jax.nn.relu(dinv * s + (dinv * dinv) * h2_ref[...] + b2_ref[...])
    z2_ref[...] = z2
    bcol = batch_ref[0]

    @pl.when(i == 0)
    def _():
        hpool_ref[...] = jnp.full((G, HID), -jnp.inf, jnp.float32)
        cnt_ref[...] = jnp.zeros((G, HID), jnp.float32)

    def body(g, carry):
        mg = (bcol == g)
        sel = jnp.max(jnp.where(mg, z2, -jnp.inf), axis=0)
        cur = hpool_ref[pl.ds(g, 1), :]
        hpool_ref[pl.ds(g, 1), :] = jnp.maximum(cur, sel[None, :])
        cg = jnp.sum(mg.astype(jnp.float32))
        cnt_ref[pl.ds(g, 1), :] = cnt_ref[pl.ds(g, 1), :] + cg
        return carry

    bmin = jnp.min(bcol)
    bmax = jnp.minimum(jnp.max(bcol), G - 1)
    lax.fori_loop(bmin, bmax + 1, body, 0)


def _tc_pool(sp, h2, degp, b2_2d, batch3d):
    return pl.pallas_call(
        _tc_pool_body,
        grid=(NBLK,),
        in_specs=[
            pl.BlockSpec((2, BLK, HID), lambda i: (0, i, 0)),
            pl.BlockSpec((BLK, HID), lambda i: (i, 0)),
            pl.BlockSpec((2, BLK, DEGW), lambda i: (0, i, 0)),
            pl.BlockSpec((1, HID), lambda i: (0, 0)),
            pl.BlockSpec((1, BLK, 1), lambda i: (i, 0, 0)),
        ],
        out_specs=[
            pl.BlockSpec((BLK, HID), lambda i: (i, 0)),
            pl.BlockSpec((G, HID), lambda i: (0, 0)),
            pl.BlockSpec((G, HID), lambda i: (0, 0)),
        ],
        out_shape=[
            jax.ShapeDtypeStruct((NP, HID), jnp.float32),
            jax.ShapeDtypeStruct((G, HID), jnp.float32),
            jax.ShapeDtypeStruct((G, HID), jnp.float32),
        ],
    )(sp, h2, degp, b2_2d, batch3d)


def _tc_final_body(z2_ref, hpool_ref, cnt_ref, tlu_ref, tlv_ref,
                   wm1_ref, bm1_ref, wm2_ref, bm2_ref, out_ref):
    c = cnt_ref[...]
    ltri = (lax.broadcasted_iota(jnp.int32, (G, G), 0)
            > lax.broadcasted_iota(jnp.int32, (G, G), 1)).astype(jnp.float32)
    ptr_excl = jnp.dot(ltri, c, preferred_element_type=jnp.float32)
    idx_u = (ptr_excl + tlu_ref[...])[:, 0:1]
    idx_v = (ptr_excl + tlv_ref[...])[:, 0:1]
    iota_n = lax.broadcasted_iota(jnp.int32, (G, NP), 1)
    ohu = (iota_n == idx_u.astype(jnp.int32)).astype(jnp.float32)
    ohv = (iota_n == idx_v.astype(jnp.int32)).astype(jnp.float32)
    z2 = z2_ref[...]
    h_u = jnp.dot(ohu, z2, preferred_element_type=jnp.float32)
    h_v = jnp.dot(ohv, z2, preferred_element_type=jnp.float32)
    feats = jnp.concatenate(
        [h_u, h_v, jnp.abs(h_u - h_v), h_u * h_v, hpool_ref[...]], axis=1)
    hidden = jax.nn.relu(
        jnp.dot(feats, wm1_ref[...], preferred_element_type=jnp.float32)
        + bm1_ref[...])
    out_ref[...] = (jnp.dot(hidden, wm2_ref[...],
                            preferred_element_type=jnp.float32) + bm2_ref[...])


def _tc_final(z2, hpool, cnt, tlu_b, tlv_b, wm1, bm1_2d, wm2_pad, bm2_pad):
    return pl.pallas_call(
        _tc_final_body,
        out_shape=jax.ShapeDtypeStruct((G, HID), jnp.float32),
    )(z2, hpool, cnt, tlu_b, tlv_b, wm1, bm1_2d, wm2_pad, bm2_pad)



def kernel(x, edge_index, drnl, batch, target_local, emb,
           W1, b1, W2, b2, Wm1, bm1, Wm2, bm2):
    f32 = jnp.float32
    i32 = jnp.int32

    src = edge_index[0].astype(i32)
    dst = edge_index[1].astype(i32)
    pad_e = jnp.full((EPAD - E,), N, i32)
    src_pad3 = jnp.concatenate([src, pad_e]).reshape(NTILES * NCH, CH)
    dst_pad3 = jnp.concatenate([dst, pad_e]).reshape(NTILES * NCH, CH)

    x_pad = jnp.pad(x.astype(f32), ((0, NP - N), (0, 0)))
    drnl2d = jnp.pad(drnl.astype(i32), (0, NP - N)).reshape(NBLK, 1, BLK)
    batch3d = jnp.pad(batch.astype(i32), (0, NP - N),
                      constant_values=G).reshape(NBLK, BLK, 1)

    ones_g = jnp.ones((8, HID), f32)
    ones_rows = jnp.ones((CH, HID), f32)
    zeros_acc = jnp.zeros((ROWS_PER_TILE, HID), f32)

    w1x = W1[:D].astype(f32)
    w1e = W1[D:].astype(f32)
    b1_2d = b1.reshape(1, HID).astype(f32)
    b2_2d = b2.reshape(1, HID).astype(f32)
    bm1_2d = bm1.reshape(1, HID).astype(f32)
    wm2_pad = jnp.pad(Wm2.astype(f32), ((0, 0), (0, HID - 2)))
    bm2_pad = jnp.pad(bm2.reshape(1, 2).astype(f32), ((0, 0), (0, HID - 2)))
    tl = target_local.astype(f32).reshape(G, 2)
    tlu_b = jnp.broadcast_to(tl[:, 0:1], (G, HID))
    tlv_b = jnp.broadcast_to(tl[:, 1:2], (G, HID))

    degp = _sc_conv(ones_g, dst_pad3, dst_pad3, zeros_acc, ones_rows, do_gather=False)

    h1, g1 = _tc_h1(x_pad, drnl2d, degp, emb.astype(f32), w1x, w1e)
    sp1 = _sc_conv(g1, src_pad3, dst_pad3, zeros_acc, ones_rows)

    h2, g2 = _tc_mid(sp1, h1, degp, W2.astype(f32), b1_2d)
    sp2 = _sc_conv(g2, src_pad3, dst_pad3, zeros_acc, ones_rows)

    z2, hpool, cnt = _tc_pool(sp2, h2, degp, b2_2d, batch3d)
    out = _tc_final(z2, hpool, cnt, tlu_b, tlv_b,
                    Wm1.astype(f32), bm1_2d, wm2_pad, bm2_pad)
    return out[:, :2]

# --- scband reference (transcript-rebuilt; emitter-appended) ---
"""Pipeline reference for scband-sealtarget-aware-31782757991012 (READ-ONLY COPY).

The authoritative reference and input builder live on the scoring server;
editing this copy changes nothing except your own understanding.
"""

import jax, jax.numpy as jnp
import numpy as np

N = 10000
E = 320000
D = 128
HID = 128
NUM_LABELS = 1000
EMB = 32
G = 64


def setup_inputs(seed: int = 0) -> dict:
    key = jax.random.key(seed)
    ks = jax.random.split(key, 12)
    x = jax.random.normal(ks[0], (N, D), dtype=jnp.float32)
    edge_index = jax.random.randint(ks[1], (2, E), 0, N)
    drnl = jax.random.randint(ks[2], (N,), 0, NUM_LABELS)
    batch = jnp.sort(jax.random.randint(ks[3], (N,), 0, G))
    target_local = jnp.zeros((G * 2,), dtype=jnp.int32)
    emb = jax.random.normal(ks[4], (NUM_LABELS, EMB), dtype=jnp.float32) * 0.05
    W1 = jax.random.normal(ks[5], (D + EMB, HID), dtype=jnp.float32) * (1.0 / np.sqrt(D + EMB))
    b1 = jnp.zeros((HID,), dtype=jnp.float32)
    W2 = jax.random.normal(ks[6], (HID, HID), dtype=jnp.float32) * (1.0 / np.sqrt(HID))
    b2 = jnp.zeros((HID,), dtype=jnp.float32)
    Wm1 = jax.random.normal(ks[7], (HID * 5, HID), dtype=jnp.float32) * (1.0 / np.sqrt(HID * 5))
    bm1 = jnp.zeros((HID,), dtype=jnp.float32)
    Wm2 = jax.random.normal(ks[8], (HID, 2), dtype=jnp.float32) * (1.0 / np.sqrt(HID))
    bm2 = jnp.zeros((2,), dtype=jnp.float32)
    return {"x": x, "edge_index": edge_index, "drnl": drnl, "batch": batch,
            "target_local": target_local, "emb": emb, "W1": W1, "b1": b1,
            "W2": W2, "b2": b2, "Wm1": Wm1, "bm1": bm1, "Wm2": Wm2, "bm2": bm2}


def _gcn_conv(x, src, dst, W, b):
    h = x @ W
    loop = jnp.arange(N, dtype=src.dtype)
    s = jnp.concatenate([src, loop])
    d = jnp.concatenate([dst, loop])
    deg = jax.ops.segment_sum(jnp.ones(s.shape[0], dtype=h.dtype), d, num_segments=N)
    dinv = jnp.where(deg > 0, jax.lax.rsqrt(jnp.maximum(deg, 1e-12)), 0.0)
    norm = dinv[s] * dinv[d]
    out = jax.ops.segment_sum(h[s] * norm[:, None], d, num_segments=N)
    return out + b


def reference(x, edge_index, drnl, batch, target_local, emb, W1, b1, W2, b2, Wm1, bm1, Wm2, bm2):
    src, dst = edge_index[0], edge_index[1]
    z = jnp.concatenate([x, emb[drnl]], axis=1)
    z = jax.nn.relu(_gcn_conv(z, src, dst, W1, b1))
    z = jax.nn.relu(_gcn_conv(z, src, dst, W2, b2))
    h_pool = jax.ops.segment_max(z, batch, num_segments=G)
    counts = jnp.bincount(batch, length=G)
    ptr = jnp.concatenate([jnp.zeros((1,), dtype=counts.dtype), jnp.cumsum(counts)])
    uv = target_local.reshape(G, 2)
    offs = ptr[:-1][:, None]
    idx = (uv + offs).reshape(-1)
    z_uv = z[idx]
    h_u = z_uv[0::2]
    h_v = z_uv[1::2]
    feats = jnp.concatenate([h_u, h_v, jnp.abs(h_u - h_v), h_u * h_v, h_pool], axis=1)
    hidden = jax.nn.relu(feats @ Wm1 + bm1)
    logits = hidden @ Wm2 + bm2
    return logits

if __name__ == "__main__":
    import jax
    _d = setup_inputs()
    print(jax.jit(kernel)(*tuple(_d.values())))

</pallas_src>

<mosaic_0001>
#map = affine_map<(d0, d1) -> (0, 0)>
#map1 = affine_map<(d0, d1) -> (0, 0, 0)>
module attributes {stable_mosaic.version = 14 : i64} {
  func.func @body_fn(%arg0: i32, %arg1: i32, %arg2: memref<8x128xf32, #tpu.memory_space<hbm>>, %arg3: memref<2560x128xi32, #tpu.memory_space<hbm>>, %arg4: memref<2560x128xi32, #tpu.memory_space<hbm>>, %arg5: memref<640x128xf32, #tpu.memory_space<hbm>>, %arg6: memref<128x128xf32, #tpu.memory_space<hbm>>, %arg7: memref<2x10240x128xf32, #tpu.memory_space<hbm>>, %arg8: memref<128xi32, #tpu.memory_space<vmem>>, %arg9: memref<128xi32, #tpu.memory_space<vmem>>, %arg10: memref<128xi32, #tpu.memory_space<vmem>>, %arg11: memref<128xi32, #tpu.memory_space<vmem>>, %arg12: memref<128x128xf32, #tpu.memory_space<vmem>>, %arg13: memref<128x128xf32, #tpu.memory_space<vmem>>, %arg14: memref<10240x128xf32, #tpu.memory_space<vmem_shared>>, %arg15: memref<!tpu.dma_semaphore, #tpu.memory_space<semaphore_mem>>, %arg16: memref<!tpu.dma_semaphore, #tpu.memory_space<semaphore_mem>>, %arg17: memref<!tpu.dma_semaphore, #tpu.memory_space<semaphore_mem>>, %arg18: memref<!tpu.dma_semaphore, #tpu.memory_space<semaphore_mem>>, %arg19: memref<!tpu.dma_semaphore, #tpu.memory_space<semaphore_mem>>) attributes {dimension_semantics = [#tpu.dimension_semantics<core_parallel>, #tpu.dimension_semantics<subcore_parallel>], iteration_bounds = array<i64: 2, 16>, scalar_prefetch = 0 : i64, scratch_operands = 12 : i64, tpu.core_type = #tpu.core_type<sc_vector_subcore>, window_params = [{transform_indices = #map}, {transform_indices = #map}, {transform_indices = #map}, {transform_indices = #map}, {transform_indices = #map}, {transform_indices = #map1}]} {
    %mul3A = arith.constant 640 : i32
    %mul3A_0 = arith.muli %arg1, %mul3A : i32
    "tpu.region"() ({
      %run_scoped3A = tpu.sem_alloc : memref<!tpu.dma_semaphore, #tpu.memory_space<semaphore_mem>>
      %dma_start3A = arith.constant 0 : i32
      %dma_start3A_15 = tpu.memref_slice %arg14[%mul3A_0, %dma_start3A] : memref<10240x128xf32, #tpu.memory_space<vmem_shared>> -> memref<640x128xf32, #tpu.memory_space<vmem_shared>>
      tpu.enqueue_dma source(%arg5 : memref<640x128xf32, #tpu.memory_space<hbm>>) target(%dma_start3A_15 : memref<640x128xf32, #tpu.memory_space<vmem_shared>>) target_semaphore(%run_scoped3A : memref<!tpu.dma_semaphore, #tpu.memory_space<semaphore_mem>>)
      %dma_wait3A = arith.constant 0 : i32
      %dma_wait3A_16 = tpu.memref_slice %arg14[%mul3A_0, %dma_wait3A] : memref<10240x128xf32, #tpu.memory_space<vmem_shared>> -> memref<640x128xf32, #tpu.memory_space<vmem_shared>>
      tpu.wait_dma2 semaphore(%run_scoped3A : memref<!tpu.dma_semaphore, #tpu.memory_space<semaphore_mem>>) src(%arg5 : memref<640x128xf32, #tpu.memory_space<hbm>>) dst(%dma_wait3A_16 : memref<640x128xf32, #tpu.memory_space<vmem_shared>>)
      tpu.yield
    }) : () -> ()
    %mul3A_1 = arith.constant 16 : i32
    %mul3A_2 = arith.muli %arg0, %mul3A_1 : i32
    %add3A = arith.addi %mul3A_2, %arg1 : i32
    %mul3A_3 = arith.constant 80 : i32
    %mul3A_4 = arith.muli %add3A, %mul3A_3 : i32
    "tpu.region"() ({
      %run_scoped3A = tpu.sem_alloc : memref<!tpu.dma_semaphore, #tpu.memory_space<semaphore_mem>>
      tpu.enqueue_dma source(%arg6 : memref<128x128xf32, #tpu.memory_space<hbm>>) target(%arg12 : memref<128x128xf32, #tpu.memory_space<vmem>>) target_semaphore(%run_scoped3A : memref<!tpu.dma_semaphore, #tpu.memory_space<semaphore_mem>>)
      tpu.wait_dma2 semaphore(%run_scoped3A : memref<!tpu.dma_semaphore, #tpu.memory_space<semaphore_mem>>) src(%arg6 : memref<128x128xf32, #tpu.memory_space<hbm>>) dst(%arg12 : memref<128x128xf32, #tpu.memory_space<vmem>>)
      tpu.yield
    }) : () -> ()
    "tpu.region"() ({
      %run_scoped3A = tpu.sem_alloc : memref<!tpu.dma_semaphore, #tpu.memory_space<semaphore_mem>>
      tpu.enqueue_dma source(%arg6 : memref<128x128xf32, #tpu.memory_space<hbm>>) target(%arg13 : memref<128x128xf32, #tpu.memory_space<vmem>>) target_semaphore(%run_scoped3A : memref<!tpu.dma_semaphore, #tpu.memory_space<semaphore_mem>>)
      tpu.wait_dma2 semaphore(%run_scoped3A : memref<!tpu.dma_semaphore, #tpu.memory_space<semaphore_mem>>) src(%arg6 : memref<128x128xf32, #tpu.memory_space<hbm>>) dst(%arg13 : memref<128x128xf32, #tpu.memory_space<vmem>>)
      tpu.yield
    }) : () -> ()
    %barrier3A = arith.constant 0 : index
    tpu.barrier barrier_id(%barrier3A)
    %scan3A = arith.constant 0 : i32
    %scan3A_5 = arith.constant 0 : i32
    %scan3A_6 = arith.constant 40 : i32
    %scan3A_7 = arith.addi %scan3A_5, %scan3A_6 : i32
    %scan3A_8 = arith.constant 1 : i32
    scf.for %scan3A_15 = %scan3A_5 to %scan3A_7 step %scan3A_8  : i32 {
      %mul3A_16 = arith.constant 2 : i32
      %mul3A_17 = arith.muli %mul3A_16, %scan3A_15 : i32
      %add3A_18 = arith.addi %mul3A_4, %mul3A_17 : i32
      %add3A_19 = arith.constant 1 : i32
      %add3A_20 = arith.addi %add3A_18, %add3A_19 : i32
      %dma_start3A = arith.constant 0 : i32
      %dma_start3A_21 = tpu.memref_slice %arg3[%add3A_18, %dma_start3A] : memref<2560x128xi32, #tpu.memory_space<hbm>> -> memref<1x128xi32, #tpu.memory_space<hbm>>
      %dma_start3A_22 = tpu.memref_squeeze %dma_start3A_21 : memref<1x128xi32, #tpu.memory_space<hbm>> -> memref<128xi32, #tpu.memory_space<hbm>>
      %dma_start3A_23 = arith.constant 0 : i32
      %dma_start3A_24 = tpu.memref_slice %arg3[%add3A_18, %dma_start3A_23] : memref<2560x128xi32, #tpu.memory_space<hbm>> -> memref<1x128xi32, #tpu.memory_space<hbm>>
      %dma_start3A_25 = tpu.memref_squeeze %dma_start3A_24 : memref<1x128xi32, #tpu.memory_space<hbm>> -> memref<128xi32, #tpu.memory_space<hbm>>
      tpu.enqueue_dma source(%dma_start3A_25 : memref<128xi32, #tpu.memory_space<hbm>>) target(%arg8 : memref<128xi32, #tpu.memory_space<vmem>>) target_semaphore(%arg15 : memref<!tpu.dma_semaphore, #tpu.memory_space<semaphore_mem>>)
      %dma_start3A_26 = arith.constant 0 : i32
      %dma_start3A_27 = tpu.memref_slice %arg4[%add3A_18, %dma_start3A_26] : memref<2560x128xi32, #tpu.memory_space<hbm>> -> memref<1x128xi32, #tpu.memory_space<hbm>>
      %dma_start3A_28 = tpu.memref_squeeze %dma_start3A_27 : memref<1x128xi32, #tpu.memory_space<hbm>> -> memref<128xi32, #tpu.memory_space<hbm>>
      %dma_start3A_29 = arith.constant 0 : i32
      %dma_start3A_30 = tpu.memref_slice %arg4[%add3A_18, %dma_start3A_29] : memref<2560x128xi32, #tpu.memory_space<hbm>> -> memref<1x128xi32, #tpu.memory_space<hbm>>
      %dma_start3A_31 = tpu.memref_squeeze %dma_start3A_30 : memref<1x128xi32, #tpu.memory_space<hbm>> -> memref<128xi32, #tpu.memory_space<hbm>>
      tpu.enqueue_dma source(%dma_start3A_31 : memref<128xi32, #tpu.memory_space<hbm>>) target(%arg10 : memref<128xi32, #tpu.memory_space<vmem>>) target_semaphore(%arg15 : memref<!tpu.dma_semaphore, #tpu.memory_space<semaphore_mem>>)
      %dma_start3A_32 = arith.constant 0 : i32
      %dma_start3A_33 = tpu.memref_slice %arg3[%add3A_20, %dma_start3A_32] : memref<2560x128xi32, #tpu.memory_space<hbm>> -> memref<1x128xi32, #tpu.memory_space<hbm>>
      %dma_start3A_34 = tpu.memref_squeeze %dma_start3A_33 : memref<1x128xi32, #tpu.memory_space<hbm>> -> memref<128xi32, #tpu.memory_space<hbm>>
      %dma_start3A_35 = arith.constant 0 : i32
      %dma_start3A_36 = tpu.memref_slice %arg3[%add3A_20, %dma_start3A_35] : memref<2560x128xi32, #tpu.memory_space<hbm>> -> memref<1x128xi32, #tpu.memory_space<hbm>>
      %dma_start3A_37 = tpu.memref_squeeze %dma_start3A_36 : memref<1x128xi32, #tpu.memory_space<hbm>> -> memref<128xi32, #tpu.memory_space<hbm>>
      tpu.enqueue_dma source(%dma_start3A_37 : memref<128xi32, #tpu.memory_space<hbm>>) target(%arg9 : memref<128xi32, #tpu.memory_space<vmem>>) target_semaphore(%arg15 : memref<!tpu.dma_semaphore, #tpu.memory_space<semaphore_mem>>)
      %dma_start3A_38 = arith.constant 0 : i32
      %dma_start3A_39 = tpu.memref_slice %arg4[%add3A_20, %dma_start3A_38] : memref<2560x128xi32, #tpu.memory_space<hbm>> -> memref<1x128xi32, #tpu.memory_space<hbm>>
      %dma_start3A_40 = tpu.memref_squeeze %dma_start3A_39 : memref<1x128xi32, #tpu.memory_space<hbm>> -> memref<128xi32, #tpu.memory_space<hbm>>
      %dma_start3A_41 = arith.constant 0 : i32
      %dma_start3A_42 = tpu.memref_slice %arg4[%add3A_20, %dma_start3A_41] : memref<2560x128xi32, #tpu.memory_space<hbm>> -> memref<1x128xi32, #tpu.memory_space<hbm>>
      %dma_start3A_43 = tpu.memref_squeeze %dma_start3A_42 : memref<1x128xi32, #tpu.memory_space<hbm>> -> memref<128xi32, #tpu.memory_space<hbm>>
      tpu.enqueue_dma source(%dma_start3A_43 : memref<128xi32, #tpu.memory_space<hbm>>) target(%arg11 : memref<128xi32, #tpu.memory_space<vmem>>) target_semaphore(%arg15 : memref<!tpu.dma_semaphore, #tpu.memory_space<semaphore_mem>>)
      %dma_wait3A = arith.constant 0 : i32
      %dma_wait3A_44 = tpu.memref_slice %arg3[%add3A_18, %dma_wait3A] : memref<2560x128xi32, #tpu.memory_space<hbm>> -> memref<1x128xi32, #tpu.memory_space<hbm>>
      %dma_wait3A_45 = tpu.memref_squeeze %dma_wait3A_44 : memref<1x128xi32, #tpu.memory_space<hbm>> -> memref<128xi32, #tpu.memory_space<hbm>>
      %dma_wait3A_46 = arith.constant 0 : i32
      %dma_wait3A_47 = tpu.memref_slice %arg3[%add3A_18, %dma_wait3A_46] : memref<2560x128xi32, #tpu.memory_space<hbm>> -> memref<1x128xi32, #tpu.memory_space<hbm>>
      %dma_wait3A_48 = tpu.memref_squeeze %dma_wait3A_47 : memref<1x128xi32, #tpu.memory_space<hbm>> -> memref<128xi32, #tpu.memory_space<hbm>>
      tpu.wait_dma2 semaphore(%arg15 : memref<!tpu.dma_semaphore, #tpu.memory_space<semaphore_mem>>) src(%dma_wait3A_48 : memref<128xi32, #tpu.memory_space<hbm>>) dst(%arg8 : memref<128xi32, #tpu.memory_space<vmem>>)
      %dma_wait3A_49 = arith.constant 0 : i32
      %dma_wait3A_50 = tpu.memref_slice %arg4[%add3A_18, %dma_wait3A_49] : memref<2560x128xi32, #tpu.memory_space<hbm>> -> memref<1x128xi32, #tpu.memory_space<hbm>>
      %dma_wait3A_51 = tpu.memref_squeeze %dma_wait3A_50 : memref<1x128xi32, #tpu.memory_space<hbm>> -> memref<128xi32, #tpu.memory_space<hbm>>
      %dma_wait3A_52 = arith.constant 0 : i32
      %dma_wait3A_53 = tpu.memref_slice %arg4[%add3A_18, %dma_wait3A_52] : memref<2560x128xi32, #tpu.memory_space<hbm>> -> memref<1x128xi32, #tpu.memory_space<hbm>>
      %dma_wait3A_54 = tpu.memref_squeeze %dma_wait3A_53 : memref<1x128xi32, #tpu.memory_space<hbm>> -> memref<128xi32, #tpu.memory_space<hbm>>
      tpu.wait_dma2 semaphore(%arg15 : memref<!tpu.dma_semaphore, #tpu.memory_space<semaphore_mem>>) src(%dma_wait3A_54 : memref<128xi32, #tpu.memory_space<hbm>>) dst(%arg10 : memref<128xi32, #tpu.memory_space<vmem>>)
      %dma_wait3A_55 = arith.constant 0 : i32
      %dma_wait3A_56 = tpu.memref_slice %arg3[%add3A_20, %dma_wait3A_55] : memref<2560x128xi32, #tpu.memory_space<hbm>> -> memref<1x128xi32, #tpu.memory_space<hbm>>
      %dma_wait3A_57 = tpu.memref_squeeze %dma_wait3A_56 : memref<1x128xi32, #tpu.memory_space<hbm>> -> memref<128xi32, #tpu.memory_space<hbm>>
      %dma_wait3A_58 = arith.constant 0 : i32
      %dma_wait3A_59 = tpu.memref_slice %arg3[%add3A_20, %dma_wait3A_58] : memref<2560x128xi32, #tpu.memory_space<hbm>> -> memref<1x128xi32, #tpu.memory_space<hbm>>
      %dma_wait3A_60 = tpu.memref_squeeze %dma_wait3A_59 : memref<1x128xi32, #tpu.memory_space<hbm>> -> memref<128xi32, #tpu.memory_space<hbm>>
      tpu.wait_dma2 semaphore(%arg15 : memref<!tpu.dma_semaphore, #tpu.memory_space<semaphore_mem>>) src(%dma_wait3A_60 : memref<128xi32, #tpu.memory_space<hbm>>) dst(%arg9 : memref<128xi32, #tpu.memory_space<vmem>>)
      %dma_wait3A_61 = arith.constant 0 : i32
      %dma_wait3A_62 = tpu.memref_slice %arg4[%add3A_20, %dma_wait3A_61] : memref<2560x128xi32, #tpu.memory_space<hbm>> -> memref<1x128xi32, #tpu.memory_space<hbm>>
      %dma_wait3A_63 = tpu.memref_squeeze %dma_wait3A_62 : memref<1x128xi32, #tpu.memory_space<hbm>> -> memref<128xi32, #tpu.memory_space<hbm>>
      %dma_wait3A_64 = arith.constant 0 : i32
      %dma_wait3A_65 = tpu.memref_slice %arg4[%add3A_20, %dma_wait3A_64] : memref<2560x128xi32, #tpu.memory_space<hbm>> -> memref<1x128xi32, #tpu.memory_space<hbm>>
      %dma_wait3A_66 = tpu.memref_squeeze %dma_wait3A_65 : memref<1x128xi32, #tpu.memory_space<hbm>> -> memref<128xi32, #tpu.memory_space<hbm>>
      tpu.wait_dma2 semaphore(%arg15 : memref<!tpu.dma_semaphore, #tpu.memory_space<semaphore_mem>>) src(%dma_wait3A_66 : memref<128xi32, #tpu.memory_space<hbm>>) dst(%arg11 : memref<128xi32, #tpu.memory_space<vmem>>)
      %dma_start3A_67 = arith.constant 0 : i32
      %dma_start3A_68 = arith.constant 0 : i32
      %dma_start3A_69 = tpu.memref_slice %arg14[%dma_start3A_67, %dma_start3A_68] : memref<10240x128xf32, #tpu.memory_space<vmem_shared>> -> memref<10240x128xf32, #tpu.memory_space<vmem_shared>>
      tpu.enqueue_indirect_dma source(%arg12 : memref<128x128xf32, #tpu.memory_space<vmem>>) target(%dma_start3A_69 : memref<10240x128xf32, #tpu.memory_space<vmem_shared>>) offsets(%arg10 : memref<128xi32, #tpu.memory_space<vmem>>) semaphore(%arg18 : memref<!tpu.dma_semaphore, #tpu.memory_space<semaphore_mem>>) {add = true}
      %dma_start3A_70 = arith.constant 0 : i32
      %dma_start3A_71 = arith.constant 0 : i32
      %dma_start3A_72 = tpu.memref_slice %arg14[%dma_start3A_70, %dma_start3A_71] : memref<10240x128xf32, #tpu.memory_space<vmem_shared>> -> memref<10240x128xf32, #tpu.memory_space<vmem_shared>>
      tpu.enqueue_indirect_dma source(%arg13 : memref<128x128xf32, #tpu.memory_space<vmem>>) target(%dma_start3A_72 : memref<10240x128xf32, #tpu.memory_space<vmem_shared>>) offsets(%arg11 : memref<128xi32, #tpu.memory_space<vmem>>) semaphore(%arg19 : memref<!tpu.dma_semaphore, #tpu.memory_space<semaphore_mem>>) {add = true}
      %dma_wait3A_73 = arith.constant 0 : i32
      %dma_wait3A_74 = arith.constant 0 : i32
      %dma_wait3A_75 = tpu.memref_slice %arg14[%dma_wait3A_73, %dma_wait3A_74] : memref<10240x128xf32, #tpu.memory_space<vmem_shared>> -> memref<10240x128xf32, #tpu.memory_space<vmem_shared>>
      tpu.wait_indirect_dma semaphore(%arg18 : memref<!tpu.dma_semaphore, #tpu.memory_space<semaphore_mem>>) src(%arg12 : memref<128x128xf32, #tpu.memory_space<vmem>>) dst(%dma_wait3A_75 : memref<10240x128xf32, #tpu.memory_space<vmem_shared>>)
      %dma_wait3A_76 = arith.constant 0 : i32
      %dma_wait3A_77 = arith.constant 0 : i32
      %dma_wait3A_78 = tpu.memref_slice %arg14[%dma_wait3A_76, %dma_wait3A_77] : memref<10240x128xf32, #tpu.memory_space<vmem_shared>> -> memref<10240x128xf32, #tpu.memory_space<vmem_shared>>
      tpu.wait_indirect_dma semaphore(%arg19 : memref<!tpu.dma_semaphore, #tpu.memory_space<semaphore_mem>>) src(%arg13 : memref<128x128xf32, #tpu.memory_space<vmem>>) dst(%dma_wait3A_78 : memref<10240x128xf32, #tpu.memory_space<vmem_shared>>)
    }
    %scan3A_9 = arith.constant 40 : i32
    %barrier3A_10 = arith.constant 0 : index
    tpu.barrier barrier_id(%barrier3A_10)
    %mul3A_11 = arith.constant 640 : i32
    %mul3A_12 = arith.muli %arg1, %mul3A_11 : i32
    %mul3A_13 = arith.constant 640 : i32
    %mul3A_14 = arith.muli %arg1, %mul3A_13 : i32
    "tpu.region"() ({
      %run_scoped3A = tpu.sem_alloc : memref<!tpu.dma_semaphore, #tpu.memory_space<semaphore_mem>>
      %dma_start3A = arith.constant 0 : i32
      %dma_start3A_15 = tpu.memref_slice %arg7[%arg0, %mul3A_14, %dma_start3A] : memref<2x10240x128xf32, #tpu.memory_space<hbm>> -> memref<1x640x128xf32, #tpu.memory_space<hbm>>
      %dma_start3A_16 = tpu.memref_squeeze %dma_start3A_15 : memref<1x640x128xf32, #tpu.memory_space<hbm>> -> memref<640x128xf32, #tpu.memory_space<hbm>>
      %dma_start3A_17 = arith.constant 0 : i32
      %dma_start3A_18 = tpu.memref_slice %arg14[%mul3A_12, %dma_start3A_17] : memref<10240x128xf32, #tpu.memory_space<vmem_shared>> -> memref<640x128xf32, #tpu.memory_space<vmem_shared>>
      tpu.enqueue_dma source(%dma_start3A_18 : memref<640x128xf32, #tpu.memory_space<vmem_shared>>) target(%dma_start3A_16 : memref<640x128xf32, #tpu.memory_space<hbm>>) target_semaphore(%run_scoped3A : memref<!tpu.dma_semaphore, #tpu.memory_space<semaphore_mem>>)
      %dma_wait3A = arith.constant 0 : i32
      %dma_wait3A_19 = tpu.memref_slice %arg7[%arg0, %mul3A_14, %dma_wait3A] : memref<2x10240x128xf32, #tpu.memory_space<hbm>> -> memref<1x640x128xf32, #tpu.memory_space<hbm>>
      %dma_wait3A_20 = tpu.memref_squeeze %dma_wait3A_19 : memref<1x640x128xf32, #tpu.memory_space<hbm>> -> memref<640x128xf32, #tpu.memory_space<hbm>>
      %dma_wait3A_21 = arith.constant 0 : i32
      %dma_wait3A_22 = tpu.memref_slice %arg14[%mul3A_12, %dma_wait3A_21] : memref<10240x128xf32, #tpu.memory_space<vmem_shared>> -> memref<640x128xf32, #tpu.memory_space<vmem_shared>>
      tpu.wait_dma2 semaphore(%run_scoped3A : memref<!tpu.dma_semaphore, #tpu.memory_space<semaphore_mem>>) src(%dma_wait3A_22 : memref<640x128xf32, #tpu.memory_space<vmem_shared>>) dst(%dma_wait3A_20 : memref<640x128xf32, #tpu.memory_space<hbm>>)
      tpu.yield
    }) : () -> ()
    return
  }
}

#map = affine_map<(d0, d1) -> (0, 0)>
#map1 = affine_map<(d0, d1) -> (0, 0, 0)>
module attributes {stable_mosaic.version = 14 : i64} {
  func.func @body_fn(%arg0: i32, %arg1: i32, %arg2: memref<10240x128xf32, #tpu.memory_space<hbm>>, %arg3: memref<2560x128xi32, #tpu.memory_space<hbm>>, %arg4: memref<2560x128xi32, #tpu.memory_space<hbm>>, %arg5: memref<640x128xf32, #tpu.memory_space<hbm>>, %arg6: memref<128x128xf32, #tpu.memory_space<hbm>>, %arg7: memref<2x10240x128xf32, #tpu.memory_space<hbm>>, %arg8: memref<128xi32, #tpu.memory_space<vmem>>, %arg9: memref<128xi32, #tpu.memory_space<vmem>>, %arg10: memref<128xi32, #tpu.memory_space<vmem>>, %arg11: memref<128xi32, #tpu.memory_space<vmem>>, %arg12: memref<128x128xf32, #tpu.memory_space<vmem>>, %arg13: memref<128x128xf32, #tpu.memory_space<vmem>>, %arg14: memref<10240x128xf32, #tpu.memory_space<vmem_shared>>, %arg15: memref<!tpu.dma_semaphore, #tpu.memory_space<semaphore_mem>>, %arg16: memref<!tpu.dma_semaphore, #tpu.memory_space<semaphore_mem>>, %arg17: memref<!tpu.dma_semaphore, #tpu.memory_space<semaphore_mem>>, %arg18: memref<!tpu.dma_semaphore, #tpu.memory_space<semaphore_mem>>, %arg19: memref<!tpu.dma_semaphore, #tpu.memory_space<semaphore_mem>>) attributes {dimension_semantics = [#tpu.dimension_semantics<core_parallel>, #tpu.dimension_semantics<subcore_parallel>], iteration_bounds = array<i64: 2, 16>, scalar_prefetch = 0 : i64, scratch_operands = 12 : i64, tpu.core_type = #tpu.core_type<sc_vector_subcore>, window_params = [{transform_indices = #map}, {transform_indices = #map}, {transform_indices = #map}, {transform_indices = #map}, {transform_indices = #map}, {transform_indices = #map1}]} {
    %mul3A = arith.constant 640 : i32
    %mul3A_0 = arith.muli %arg1, %mul3A : i32
    "tpu.region"() ({
      %run_scoped3A = tpu.sem_alloc : memref<!tpu.dma_semaphore, #tpu.memory_space<semaphore_mem>>
      %dma_start3A = arith.constant 0 : i32
      %dma_start3A_40 = tpu.memref_slice %arg14[%mul3A_0, %dma_start3A] : memref<10240x128xf32, #tpu.memory_space<vmem_shared>> -> memref<640x128xf32, #tpu.memory_space<vmem_shared>>
      tpu.enqueue_dma source(%arg5 : memref<640x128xf32, #tpu.memory_space<hbm>>) target(%dma_start3A_40 : memref<640x128xf32, #tpu.memory_space<vmem_shared>>) target_semaphore(%run_scoped3A : memref<!tpu.dma_semaphore, #tpu.memory_space<semaphore_mem>>)
      %dma_wait3A = arith.constant 0 : i32
      %dma_wait3A_41 = tpu.memref_slice %arg14[%mul3A_0, %dma_wait3A] : memref<10240x128xf32, #tpu.memory_space<vmem_shared>> -> memref<640x128xf32, #tpu.memory_space<vmem_shared>>
      tpu.wait_dma2 semaphore(%run_scoped3A : memref<!tpu.dma_semaphore, #tpu.memory_space<semaphore_mem>>) src(%arg5 : memref<640x128xf32, #tpu.memory_space<hbm>>) dst(%dma_wait3A_41 : memref<640x128xf32, #tpu.memory_space<vmem_shared>>)
      tpu.yield
    }) : () -> ()
    %eq3A = arith.constant 0 : i32
    %eq3A_1 = arith.cmpi eq, %arg0, %eq3A : i32
    %jit3A = arith.constant 148 : i32
    %jit3A_2 = arith.constant 12 : i32
    %select_n3A = arith.select %eq3A_1, %jit3A, %jit3A_2 : i32
    %mul3A_3 = arith.constant 16 : i32
    %mul3A_4 = arith.muli %arg0, %mul3A_3 : i32
    %mul3A_5 = arith.constant 148 : i32
    %mul3A_6 = arith.muli %mul3A_4, %mul3A_5 : i32
    %mul3A_7 = arith.muli %arg1, %select_n3A : i32
    %add3A = arith.addi %mul3A_6, %mul3A_7 : i32
    %barrier3A = arith.constant 0 : index
    tpu.barrier barrier_id(%barrier3A)
    %jit3A_8 = arith.constant 2 : i32
    %div3A = arith.divsi %select_n3A, %jit3A_8 : i32
    %sign3A = arith.constant 0 : i32
    %sign3A_9 = arith.cmpi sgt, %select_n3A, %sign3A : i32
    %sign3A_10 = arith.extui %sign3A_9 : i1 to i32
    %sign3A_11 = arith.constant 0 : i32
    %sign3A_12 = arith.cmpi slt, %select_n3A, %sign3A_11 : i32
    %sign3A_13 = arith.extui %sign3A_12 : i1 to i32
    %sign3A_14 = arith.subi %sign3A_10, %sign3A_13 : i32
    %sign3A_15 = arith.constant 0 : i32
    %sign3A_16 = arith.cmpi sgt, %jit3A_8, %sign3A_15 : i32
    %sign3A_17 = arith.extui %sign3A_16 : i1 to i32
    %sign3A_18 = arith.constant 0 : i32
    %sign3A_19 = arith.cmpi slt, %jit3A_8, %sign3A_18 : i32
    %sign3A_20 = arith.extui %sign3A_19 : i1 to i32
    %sign3A_21 = arith.subi %sign3A_17, %sign3A_20 : i32
    %ne3A = arith.cmpi ne, %sign3A_14, %sign3A_21 : i32
    %rem3A = arith.remsi %select_n3A, %jit3A_8 : i32
    %ne3A_22 = arith.constant 0 : i32
    %ne3A_23 = arith.cmpi ne, %rem3A, %ne3A_22 : i32
    %and3A = arith.andi %ne3A, %ne3A_23 : i1
    %sub3A = arith.constant 1 : i32
    %sub3A_24 = arith.subi %div3A, %sub3A : i32
    %select_n3A_25 = arith.select %and3A, %sub3A_24, %div3A : i32
    %while3A = arith.constant 0 : i32
    %while3A_26 = arith.constant 0 : i32
    %while3A_27 = arith.subi %select_n3A_25, %while3A_26 : i32
    %while3A_28 = arith.addi %while3A_26, %while3A_27 : i32
    %while3A_29 = arith.constant 1 : i32
    %while3A_30 = arith.divsi %while3A_27, %while3A_29 : i32
    %while3A_31 = arith.muli %while3A_30, %while3A_29 : i32
    %while3A_32 = arith.addi %while3A_26, %while3A_31 : i32
    %while3A_33 = arith.constant 1 : i32
    scf.for %while3A_40 = %while3A_26 to %while3A_32 step %while3A_33  : i32 {
      %mul3A_41 = arith.constant 2 : i32
      %mul3A_42 = arith.muli %mul3A_41, %while3A_40 : i32
      %add3A_43 = arith.addi %add3A, %mul3A_42 : i32
      %add3A_44 = arith.constant 1 : i32
      %add3A_45 = arith.addi %add3A_43, %add3A_44 : i32
      %dma_start3A = arith.constant 0 : i32
      %dma_start3A_46 = tpu.memref_slice %arg3[%add3A_43, %dma_start3A] : memref<2560x128xi32, #tpu.memory_space<hbm>> -> memref<1x128xi32, #tpu.memory_space<hbm>>
      %dma_start3A_47 = tpu.memref_squeeze %dma_start3A_46 : memref<1x128xi32, #tpu.memory_space<hbm>> -> memref<128xi32, #tpu.memory_space<hbm>>
      %dma_start3A_48 = arith.constant 0 : i32
      %dma_start3A_49 = tpu.memref_slice %arg3[%add3A_43, %dma_start3A_48] : memref<2560x128xi32, #tpu.memory_space<hbm>> -> memref<1x128xi32, #tpu.memory_space<hbm>>
      %dma_start3A_50 = tpu.memref_squeeze %dma_start3A_49 : memref<1x128xi32, #tpu.memory_space<hbm>> -> memref<128xi32, #tpu.memory_space<hbm>>
      tpu.enqueue_dma source(%dma_start3A_50 : memref<128xi32, #tpu.memory_space<hbm>>) target(%arg8 : memref<128xi32, #tpu.memory_space<vmem>>) target_semaphore(%arg15 : memref<!tpu.dma_semaphore, #tpu.memory_space<semaphore_mem>>)
      %dma_start3A_51 = arith.constant 0 : i32
      %dma_start3A_52 = tpu.memref_slice %arg4[%add3A_43, %dma_start3A_51] : memref<2560x128xi32, #tpu.memory_space<hbm>> -> memref<1x128xi32, #tpu.memory_space<hbm>>
      %dma_start3A_53 = tpu.memref_squeeze %dma_start3A_52 : memref<1x128xi32, #tpu.memory_space<hbm>> -> memref<128xi32, #tpu.memory_space<hbm>>
      %dma_start3A_54 = arith.constant 0 : i32
      %dma_start3A_55 = tpu.memref_slice %arg4[%add3A_43, %dma_start3A_54] : memref<2560x128xi32, #tpu.memory_space<hbm>> -> memref<1x128xi32, #tpu.memory_space<hbm>>
      %dma_start3A_56 = tpu.memref_squeeze %dma_start3A_55 : memref<1x128xi32, #tpu.memory_space<hbm>> -> memref<128xi32, #tpu.memory_space<hbm>>
      tpu.enqueue_dma source(%dma_start3A_56 : memref<128xi32, #tpu.memory_space<hbm>>) target(%arg10 : memref<128xi32, #tpu.memory_space<vmem>>) target_semaphore(%arg15 : memref<!tpu.dma_semaphore, #tpu.memory_space<semaphore_mem>>)
      %dma_start3A_57 = arith.constant 0 : i32
      %dma_start3A_58 = tpu.memref_slice %arg3[%add3A_45, %dma_start3A_57] : memref<2560x128xi32, #tpu.memory_space<hbm>> -> memref<1x128xi32, #tpu.memory_space<hbm>>
      %dma_start3A_59 = tpu.memref_squeeze %dma_start3A_58 : memref<1x128xi32, #tpu.memory_space<hbm>> -> memref<128xi32, #tpu.memory_space<hbm>>
      %dma_start3A_60 = arith.constant 0 : i32
      %dma_start3A_61 = tpu.memref_slice %arg3[%add3A_45, %dma_start3A_60] : memref<2560x128xi32, #tpu.memory_space<hbm>> -> memref<1x128xi32, #tpu.memory_space<hbm>>
      %dma_start3A_62 = tpu.memref_squeeze %dma_start3A_61 : memref<1x128xi32, #tpu.memory_space<hbm>> -> memref<128xi32, #tpu.memory_space<hbm>>
      tpu.enqueue_dma source(%dma_start3A_62 : memref<128xi32, #tpu.memory_space<hbm>>) target(%arg9 : memref<128xi32, #tpu.memory_space<vmem>>) target_semaphore(%arg15 : memref<!tpu.dma_semaphore, #tpu.memory_space<semaphore_mem>>)
      %dma_start3A_63 = arith.constant 0 : i32
      %dma_start3A_64 = tpu.memref_slice %arg4[%add3A_45, %dma_start3A_63] : memref<2560x128xi32, #tpu.memory_space<hbm>> -> memref<1x128xi32, #tpu.memory_space<hbm>>
      %dma_start3A_65 = tpu.memref_squeeze %dma_start3A_64 : memref<1x128xi32, #tpu.memory_space<hbm>> -> memref<128xi32, #tpu.memory_space<hbm>>
      %dma_start3A_66 = arith.constant 0 : i32
      %dma_start3A_67 = tpu.memref_slice %arg4[%add3A_45, %dma_start3A_66] : memref<2560x128xi32, #tpu.memory_space<hbm>> -> memref<1x128xi32, #tpu.memory_space<hbm>>
      %dma_start3A_68 = tpu.memref_squeeze %dma_start3A_67 : memref<1x128xi32, #tpu.memory_space<hbm>> -> memref<128xi32, #tpu.memory_space<hbm>>
      tpu.enqueue_dma source(%dma_start3A_68 : memref<128xi32, #tpu.memory_space<hbm>>) target(%arg11 : memref<128xi32, #tpu.memory_space<vmem>>) target_semaphore(%arg15 : memref<!tpu.dma_semaphore, #tpu.memory_space<semaphore_mem>>)
      %dma_wait3A = arith.constant 0 : i32
      %dma_wait3A_69 = tpu.memref_slice %arg3[%add3A_43, %dma_wait3A] : memref<2560x128xi32, #tpu.memory_space<hbm>> -> memref<1x128xi32, #tpu.memory_space<hbm>>
      %dma_wait3A_70 = tpu.memref_squeeze %dma_wait3A_69 : memref<1x128xi32, #tpu.memory_space<hbm>> -> memref<128xi32, #tpu.memory_space<hbm>>
      %dma_wait3A_71 = arith.constant 0 : i32
      %dma_wait3A_72 = tpu.memref_slice %arg3[%add3A_43, %dma_wait3A_71] : memref<2560x128xi32, #tpu.memory_space<hbm>> -> memref<1x128xi32, #tpu.memory_space<hbm>>
      %dma_wait3A_73 = tpu.memref_squeeze %dma_wait3A_72 : memref<1x128xi32, #tpu.memory_space<hbm>> -> memref<128xi32, #tpu.memory_space<hbm>>
      tpu.wait_dma2 semaphore(%arg15 : memref<!tpu.dma_semaphore, #tpu.memory_space<semaphore_mem>>) src(%dma_wait3A_73 : memref<128xi32, #tpu.memory_space<hbm>>) dst(%arg8 : memref<128xi32, #tpu.memory_space<vmem>>)
      %dma_wait3A_74 = arith.constant 0 : i32
      %dma_wait3A_75 = tpu.memref_slice %arg4[%add3A_43, %dma_wait3A_74] : memref<2560x128xi32, #tpu.memory_space<hbm>> -> memref<1x128xi32, #tpu.memory_space<hbm>>
      %dma_wait3A_76 = tpu.memref_squeeze %dma_wait3A_75 : memref<1x128xi32, #tpu.memory_space<hbm>> -> memref<128xi32, #tpu.memory_space<hbm>>
      %dma_wait3A_77 = arith.constant 0 : i32
      %dma_wait3A_78 = tpu.memref_slice %arg4[%add3A_43, %dma_wait3A_77] : memref<2560x128xi32, #tpu.memory_space<hbm>> -> memref<1x128xi32, #tpu.memory_space<hbm>>
      %dma_wait3A_79 = tpu.memref_squeeze %dma_wait3A_78 : memref<1x128xi32, #tpu.memory_space<hbm>> -> memref<128xi32, #tpu.memory_space<hbm>>
      tpu.wait_dma2 semaphore(%arg15 : memref<!tpu.dma_semaphore, #tpu.memory_space<semaphore_mem>>) src(%dma_wait3A_79 : memref<128xi32, #tpu.memory_space<hbm>>) dst(%arg10 : memref<128xi32, #tpu.memory_space<vmem>>)
      %dma_wait3A_80 = arith.constant 0 : i32
      %dma_wait3A_81 = tpu.memref_slice %arg3[%add3A_45, %dma_wait3A_80] : memref<2560x128xi32, #tpu.memory_space<hbm>> -> memref<1x128xi32, #tpu.memory_space<hbm>>
      %dma_wait3A_82 = tpu.memref_squeeze %dma_wait3A_81 : memref<1x128xi32, #tpu.memory_space<hbm>> -> memref<128xi32, #tpu.memory_space<hbm>>
      %dma_wait3A_83 = arith.constant 0 : i32
      %dma_wait3A_84 = tpu.memref_slice %arg3[%add3A_45, %dma_wait3A_83] : memref<2560x128xi32, #tpu.memory_space<hbm>> -> memref<1x128xi32, #tpu.memory_space<hbm>>
      %dma_wait3A_85 = tpu.memref_squeeze %dma_wait3A_84 : memref<1x128xi32, #tpu.memory_space<hbm>> -> memref<128xi32, #tpu.memory_space<hbm>>
      tpu.wait_dma2 semaphore(%arg15 : memref<!tpu.dma_semaphore, #tpu.memory_space<semaphore_mem>>) src(%dma_wait3A_85 : memref<128xi32, #tpu.memory_space<hbm>>) dst(%arg9 : memref<128xi32, #tpu.memory_space<vmem>>)
      %dma_wait3A_86 = arith.constant 0 : i32
      %dma_wait3A_87 = tpu.memref_slice %arg4[%add3A_45, %dma_wait3A_86] : memref<2560x128xi32, #tpu.memory_space<hbm>> -> memref<1x128xi32, #tpu.memory_space<hbm>>
      %dma_wait3A_88 = tpu.memref_squeeze %dma_wait3A_87 : memref<1x128xi32, #tpu.memory_space<hbm>> -> memref<128xi32, #tpu.memory_space<hbm>>
      %dma_wait3A_89 = arith.constant 0 : i32
      %dma_wait3A_90 = tpu.memref_slice %arg4[%add3A_45, %dma_wait3A_89] : memref<2560x128xi32, #tpu.memory_space<hbm>> -> memref<1x128xi32, #tpu.memory_space<hbm>>
      %dma_wait3A_91 = tpu.memref_squeeze %dma_wait3A_90 : memref<1x128xi32, #tpu.memory_space<hbm>> -> memref<128xi32, #tpu.memory_space<hbm>>
      tpu.wait_dma2 semaphore(%arg15 : memref<!tpu.dma_semaphore, #tpu.memory_space<semaphore_mem>>) src(%dma_wait3A_91 : memref<128xi32, #tpu.memory_space<hbm>>) dst(%arg11 : memref<128xi32, #tpu.memory_space<vmem>>)
      %dma_start3A_92 = arith.constant 0 : i32
      %dma_start3A_93 = arith.constant 0 : i32
      %dma_start3A_94 = tpu.memref_slice %arg2[%dma_start3A_92, %dma_start3A_93] : memref<10240x128xf32, #tpu.memory_space<hbm>> -> memref<10240x128xf32, #tpu.memory_space<hbm>>
      tpu.enqueue_indirect_dma source(%dma_start3A_94 : memref<10240x128xf32, #tpu.memory_space<hbm>>) target(%arg12 : memref<128x128xf32, #tpu.memory_space<vmem>>) offsets(%arg8 : memref<128xi32, #tpu.memory_space<vmem>>) semaphore(%arg16 : memref<!tpu.dma_semaphore, #tpu.memory_space<semaphore_mem>>)
      %dma_start3A_95 = arith.constant 0 : i32
      %dma_start3A_96 = arith.constant 0 : i32
      %dma_start3A_97 = tpu.memref_slice %arg2[%dma_start3A_95, %dma_start3A_96] : memref<10240x128xf32, #tpu.memory_space<hbm>> -> memref<10240x128xf32, #tpu.memory_space<hbm>>
      tpu.enqueue_indirect_dma source(%dma_start3A_97 : memref<10240x128xf32, #tpu.memory_space<hbm>>) target(%arg13 : memref<128x128xf32, #tpu.memory_space<vmem>>) offsets(%arg9 : memref<128xi32, #tpu.memory_space<vmem>>) semaphore(%arg17 : memref<!tpu.dma_semaphore, #tpu.memory_space<semaphore_mem>>)
      %dma_wait3A_98 = arith.constant 0 : i32
      %dma_wait3A_99 = arith.constant 0 : i32
      %dma_wait3A_100 = tpu.memref_slice %arg2[%dma_wait3A_98, %dma_wait3A_99] : memref<10240x128xf32, #tpu.memory_space<hbm>> -> memref<10240x128xf32, #tpu.memory_space<hbm>>
      tpu.wait_indirect_dma semaphore(%arg16 : memref<!tpu.dma_semaphore, #tpu.memory_space<semaphore_mem>>) src(%dma_wait3A_100 : memref<10240x128xf32, #tpu.memory_space<hbm>>) dst(%arg12 : memref<128x128xf32, #tpu.memory_space<vmem>>)
      %dma_wait3A_101 = arith.constant 0 : i32
      %dma_wait3A_102 = arith.constant 0 : i32
      %dma_wait3A_103 = tpu.memref_slice %arg2[%dma_wait3A_101, %dma_wait3A_102] : memref<10240x128xf32, #tpu.memory_space<hbm>> -> memref<10240x128xf32, #tpu.memory_space<hbm>>
      tpu.wait_indirect_dma semaphore(%arg17 : memref<!tpu.dma_semaphore, #tpu.memory_space<semaphore_mem>>) src(%dma_wait3A_103 : memref<10240x128xf32, #tpu.memory_space<hbm>>) dst(%arg13 : memref<128x128xf32, #tpu.memory_space<vmem>>)
      %dma_start3A_104 = arith.constant 0 : i32
      %dma_start3A_105 = arith.constant 0 : i32
      %dma_start3A_106 = tpu.memref_slice %arg14[%dma_start3A_104, %dma_start3A_105] : memref<10240x128xf32, #tpu.memory_space<vmem_shared>> -> memref<10240x128xf32, #tpu.memory_space<vmem_shared>>
      tpu.enqueue_indirect_dma source(%arg12 : memref<128x128xf32, #tpu.memory_space<vmem>>) target(%dma_start3A_106 : memref<10240x128xf32, #tpu.memory_space<vmem_shared>>) offsets(%arg10 : memref<128xi32, #tpu.memory_space<vmem>>) semaphore(%arg18 : memref<!tpu.dma_semaphore, #tpu.memory_space<semaphore_mem>>) {add = true}
      %dma_start3A_107 = arith.constant 0 : i32
      %dma_start3A_108 = arith.constant 0 : i32
      %dma_start3A_109 = tpu.memref_slice %arg14[%dma_start3A_107, %dma_start3A_108] : memref<10240x128xf32, #tpu.memory_space<vmem_shared>> -> memref<10240x128xf32, #tpu.memory_space<vmem_shared>>
      tpu.enqueue_indirect_dma source(%arg13 : memref<128x128xf32, #tpu.memory_space<vmem>>) target(%dma_start3A_109 : memref<10240x128xf32, #tpu.memory_space<vmem_shared>>) offsets(%arg11 : memref<128xi32, #tpu.memory_space<vmem>>) semaphore(%arg19 : memref<!tpu.dma_semaphore, #tpu.memory_space<semaphore_mem>>) {add = true}
      %dma_wait3A_110 = arith.constant 0 : i32
      %dma_wait3A_111 = arith.constant 0 : i32
      %dma_wait3A_112 = tpu.memref_slice %arg14[%dma_wait3A_110, %dma_wait3A_111] : memref<10240x128xf32, #tpu.memory_space<vmem_shared>> -> memref<10240x128xf32, #tpu.memory_space<vmem_shared>>
      tpu.wait_indirect_dma semaphore(%arg18 : memref<!tpu.dma_semaphore, #tpu.memory_space<semaphore_mem>>) src(%arg12 : memref<128x128xf32, #tpu.memory_space<vmem>>) dst(%dma_wait3A_112 : memref<10240x128xf32, #tpu.memory_space<vmem_shared>>)
      %dma_wait3A_113 = arith.constant 0 : i32
      %dma_wait3A_114 = arith.constant 0 : i32
      %dma_wait3A_115 = tpu.memref_slice %arg14[%dma_wait3A_113, %dma_wait3A_114] : memref<10240x128xf32, #tpu.memory_space<vmem_shared>> -> memref<10240x128xf32, #tpu.memory_space<vmem_shared>>
      tpu.wait_indirect_dma semaphore(%arg19 : memref<!tpu.dma_semaphore, #tpu.memory_space<semaphore_mem>>) src(%arg13 : memref<128x128xf32, #tpu.memory_space<vmem>>) dst(%dma_wait3A_115 : memref<10240x128xf32, #tpu.memory_space<vmem_shared>>)
    }
    %while3A_34 = arith.constant 1 : i32
    scf.for %while3A_40 = %while3A_32 to %while3A_28 step %while3A_34  : i32 {
      %mul3A_41 = arith.constant 2 : i32
      %mul3A_42 = arith.muli %mul3A_41, %while3A_40 : i32
      %add3A_43 = arith.addi %add3A, %mul3A_42 : i32
      %add3A_44 = arith.constant 1 : i32
      %add3A_45 = arith.addi %add3A_43, %add3A_44 : i32
      %dma_start3A = arith.constant 0 : i32
      %dma_start3A_46 = tpu.memref_slice %arg3[%add3A_43, %dma_start3A] : memref<2560x128xi32, #tpu.memory_space<hbm>> -> memref<1x128xi32, #tpu.memory_space<hbm>>
      %dma_start3A_47 = tpu.memref_squeeze %dma_start3A_46 : memref<1x128xi32, #tpu.memory_space<hbm>> -> memref<128xi32, #tpu.memory_space<hbm>>
      %dma_start3A_48 = arith.constant 0 : i32
      %dma_start3A_49 = tpu.memref_slice %arg3[%add3A_43, %dma_start3A_48] : memref<2560x128xi32, #tpu.memory_space<hbm>> -> memref<1x128xi32, #tpu.memory_space<hbm>>
      %dma_start3A_50 = tpu.memref_squeeze %dma_start3A_49 : memref<1x128xi32, #tpu.memory_space<hbm>> -> memref<128xi32, #tpu.memory_space<hbm>>
      tpu.enqueue_dma source(%dma_start3A_50 : memref<128xi32, #tpu.memory_space<hbm>>) target(%arg8 : memref<128xi32, #tpu.memory_space<vmem>>) target_semaphore(%arg15 : memref<!tpu.dma_semaphore, #tpu.memory_space<semaphore_mem>>)
      %dma_start3A_51 = arith.constant 0 : i32
      %dma_start3A_52 = tpu.memref_slice %arg4[%add3A_43, %dma_start3A_51] : memref<2560x128xi32, #tpu.memory_space<hbm>> -> memref<1x128xi32, #tpu.memory_space<hbm>>
      %dma_start3A_53 = tpu.memref_squeeze %dma_start3A_52 : memref<1x128xi32, #tpu.memory_space<hbm>> -> memref<128xi32, #tpu.memory_space<hbm>>
      %dma_start3A_54 = arith.constant 0 : i32
      %dma_start3A_55 = tpu.memref_slice %arg4[%add3A_43, %dma_start3A_54] : memref<2560x128xi32, #tpu.memory_space<hbm>> -> memref<1x128xi32, #tpu.memory_space<hbm>>
      %dma_start3A_56 = tpu.memref_squeeze %dma_start3A_55 : memref<1x128xi32, #tpu.memory_space<hbm>> -> memref<128xi32, #tpu.memory_space<hbm>>
      tpu.enqueue_dma source(%dma_start3A_56 : memref<128xi32, #tpu.memory_space<hbm>>) target(%arg10 : memref<128xi32, #tpu.memory_space<vmem>>) target_semaphore(%arg15 : memref<!tpu.dma_semaphore, #tpu.memory_space<semaphore_mem>>)
      %dma_start3A_57 = arith.constant 0 : i32
      %dma_start3A_58 = tpu.memref_slice %arg3[%add3A_45, %dma_start3A_57] : memref<2560x128xi32, #tpu.memory_space<hbm>> -> memref<1x128xi32, #tpu.memory_space<hbm>>
      %dma_start3A_59 = tpu.memref_squeeze %dma_start3A_58 : memref<1x128xi32, #tpu.memory_space<hbm>> -> memref<128xi32, #tpu.memory_space<hbm>>
      %dma_start3A_60 = arith.constant 0 : i32
      %dma_start3A_61 = tpu.memref_slice %arg3[%add3A_45, %dma_start3A_60] : memref<2560x128xi32, #tpu.memory_space<hbm>> -> memref<1x128xi32, #tpu.memory_space<hbm>>
      %dma_start3A_62 = tpu.memref_squeeze %dma_start3A_61 : memref<1x128xi32, #tpu.memory_space<hbm>> -> memref<128xi32, #tpu.memory_space<hbm>>
      tpu.enqueue_dma source(%dma_start3A_62 : memref<128xi32, #tpu.memory_space<hbm>>) target(%arg9 : memref<128xi32, #tpu.memory_space<vmem>>) target_semaphore(%arg15 : memref<!tpu.dma_semaphore, #tpu.memory_space<semaphore_mem>>)
      %dma_start3A_63 = arith.constant 0 : i32
      %dma_start3A_64 = tpu.memref_slice %arg4[%add3A_45, %dma_start3A_63] : memref<2560x128xi32, #tpu.memory_space<hbm>> -> memref<1x128xi32, #tpu.memory_space<hbm>>
      %dma_start3A_65 = tpu.memref_squeeze %dma_start3A_64 : memref<1x128xi32, #tpu.memory_space<hbm>> -> memref<128xi32, #tpu.memory_space<hbm>>
      %dma_start3A_66 = arith.constant 0 : i32
      %dma_start3A_67 = tpu.memref_slice %arg4[%add3A_45, %dma_start3A_66] : memref<2560x128xi32, #tpu.memory_space<hbm>> -> memref<1x128xi32, #tpu.memory_space<hbm>>
      %dma_start3A_68 = tpu.memref_squeeze %dma_start3A_67 : memref<1x128xi32, #tpu.memory_space<hbm>> -> memref<128xi32, #tpu.memory_space<hbm>>
      tpu.enqueue_dma source(%dma_start3A_68 : memref<128xi32, #tpu.memory_space<hbm>>) target(%arg11 : memref<128xi32, #tpu.memory_space<vmem>>) target_semaphore(%arg15 : memref<!tpu.dma_semaphore, #tpu.memory_space<semaphore_mem>>)
      %dma_wait3A = arith.constant 0 : i32
      %dma_wait3A_69 = tpu.memref_slice %arg3[%add3A_43, %dma_wait3A] : memref<2560x128xi32, #tpu.memory_space<hbm>> -> memref<1x128xi32, #tpu.memory_space<hbm>>
      %dma_wait3A_70 = tpu.memref_squeeze %dma_wait3A_69 : memref<1x128xi32, #tpu.memory_space<hbm>> -> memref<128xi32, #tpu.memory_space<hbm>>
      %dma_wait3A_71 = arith.constant 0 : i32
      %dma_wait3A_72 = tpu.memref_slice %arg3[%add3A_43, %dma_wait3A_71] : memref<2560x128xi32, #tpu.memory_space<hbm>> -> memref<1x128xi32, #tpu.memory_space<hbm>>
      %dma_wait3A_73 = tpu.memref_squeeze %dma_wait3A_72 : memref<1x128xi32, #tpu.memory_space<hbm>> -> memref<128xi32, #tpu.memory_space<hbm>>
      tpu.wait_dma2 semaphore(%arg15 : memref<!tpu.dma_semaphore, #tpu.memory_space<semaphore_mem>>) src(%dma_wait3A_73 : memref<128xi32, #tpu.memory_space<hbm>>) dst(%arg8 : memref<128xi32, #tpu.memory_space<vmem>>)
      %dma_wait3A_74 = arith.constant 0 : i32
      %dma_wait3A_75 = tpu.memref_slice %arg4[%add3A_43, %dma_wait3A_74] : memref<2560x128xi32, #tpu.memory_space<hbm>> -> memref<1x128xi32, #tpu.memory_space<hbm>>
      %dma_wait3A_76 = tpu.memref_squeeze %dma_wait3A_75 : memref<1x128xi32, #tpu.memory_space<hbm>> -> memref<128xi32, #tpu.memory_space<hbm>>
      %dma_wait3A_77 = arith.constant 0 : i32
      %dma_wait3A_78 = tpu.memref_slice %arg4[%add3A_43, %dma_wait3A_77] : memref<2560x128xi32, #tpu.memory_space<hbm>> -> memref<1x128xi32, #tpu.memory_space<hbm>>
      %dma_wait3A_79 = tpu.memref_squeeze %dma_wait3A_78 : memref<1x128xi32, #tpu.memory_space<hbm>> -> memref<128xi32, #tpu.memory_space<hbm>>
      tpu.wait_dma2 semaphore(%arg15 : memref<!tpu.dma_semaphore, #tpu.memory_space<semaphore_mem>>) src(%dma_wait3A_79 : memref<128xi32, #tpu.memory_space<hbm>>) dst(%arg10 : memref<128xi32, #tpu.memory_space<vmem>>)
      %dma_wait3A_80 = arith.constant 0 : i32
      %dma_wait3A_81 = tpu.memref_slice %arg3[%add3A_45, %dma_wait3A_80] : memref<2560x128xi32, #tpu.memory_space<hbm>> -> memref<1x128xi32, #tpu.memory_space<hbm>>
      %dma_wait3A_82 = tpu.memref_squeeze %dma_wait3A_81 : memref<1x128xi32, #tpu.memory_space<hbm>> -> memref<128xi32, #tpu.memory_space<hbm>>
      %dma_wait3A_83 = arith.constant 0 : i32
      %dma_wait3A_84 = tpu.memref_slice %arg3[%add3A_45, %dma_wait3A_83] : memref<2560x128xi32, #tpu.memory_space<hbm>> -> memref<1x128xi32, #tpu.memory_space<hbm>>
      %dma_wait3A_85 = tpu.memref_squeeze %dma_wait3A_84 : memref<1x128xi32, #tpu.memory_space<hbm>> -> memref<128xi32, #tpu.memory_space<hbm>>
      tpu.wait_dma2 semaphore(%arg15 : memref<!tpu.dma_semaphore, #tpu.memory_space<semaphore_mem>>) src(%dma_wait3A_85 : memref<128xi32, #tpu.memory_space<hbm>>) dst(%arg9 : memref<128xi32, #tpu.memory_space<vmem>>)
      %dma_wait3A_86 = arith.constant 0 : i32
      %dma_wait3A_87 = tpu.memref_slice %arg4[%add3A_45, %dma_wait3A_86] : memref<2560x128xi32, #tpu.memory_space<hbm>> -> memref<1x128xi32, #tpu.memory_space<hbm>>
      %dma_wait3A_88 = tpu.memref_squeeze %dma_wait3A_87 : memref<1x128xi32, #tpu.memory_space<hbm>> -> memref<128xi32, #tpu.memory_space<hbm>>
      %dma_wait3A_89 = arith.constant 0 : i32
      %dma_wait3A_90 = tpu.memref_slice %arg4[%add3A_45, %dma_wait3A_89] : memref<2560x128xi32, #tpu.memory_space<hbm>> -> memref<1x128xi32, #tpu.memory_space<hbm>>
      %dma_wait3A_91 = tpu.memref_squeeze %dma_wait3A_90 : memref<1x128xi32, #tpu.memory_space<hbm>> -> memref<128xi32, #tpu.memory_space<hbm>>
      tpu.wait_dma2 semaphore(%arg15 : memref<!tpu.dma_semaphore, #tpu.memory_space<semaphore_mem>>) src(%dma_wait3A_91 : memref<128xi32, #tpu.memory_space<hbm>>) dst(%arg11 : memref<128xi32, #tpu.memory_space<vmem>>)
      %dma_start3A_92 = arith.constant 0 : i32
      %dma_start3A_93 = arith.constant 0 : i32
      %dma_start3A_94 = tpu.memref_slice %arg2[%dma_start3A_92, %dma_start3A_93] : memref<10240x128xf32, #tpu.memory_space<hbm>> -> memref<10240x128xf32, #tpu.memory_space<hbm>>
      tpu.enqueue_indirect_dma source(%dma_start3A_94 : memref<10240x128xf32, #tpu.memory_space<hbm>>) target(%arg12 : memref<128x128xf32, #tpu.memory_space<vmem>>) offsets(%arg8 : memref<128xi32, #tpu.memory_space<vmem>>) semaphore(%arg16 : memref<!tpu.dma_semaphore, #tpu.memory_space<semaphore_mem>>)
      %dma_start3A_95 = arith.constant 0 : i32
      %dma_start3A_96 = arith.constant 0 : i32
      %dma_start3A_97 = tpu.memref_slice %arg2[%dma_start3A_95, %dma_start3A_96] : memref<10240x128xf32, #tpu.memory_space<hbm>> -> memref<10240x128xf32, #tpu.memory_space<hbm>>
      tpu.enqueue_indirect_dma source(%dma_start3A_97 : memref<10240x128xf32, #tpu.memory_space<hbm>>) target(%arg13 : memref<128x128xf32, #tpu.memory_space<vmem>>) offsets(%arg9 : memref<128xi32, #tpu.memory_space<vmem>>) semaphore(%arg17 : memref<!tpu.dma_semaphore, #tpu.memory_space<semaphore_mem>>)
      %dma_wait3A_98 = arith.constant 0 : i32
      %dma_wait3A_99 = arith.constant 0 : i32
      %dma_wait3A_100 = tpu.memref_slice %arg2[%dma_wait3A_98, %dma_wait3A_99] : memref<10240x128xf32, #tpu.memory_space<hbm>> -> memref<10240x128xf32, #tpu.memory_space<hbm>>
      tpu.wait_indirect_dma semaphore(%arg16 : memref<!tpu.dma_semaphore, #tpu.memory_space<semaphore_mem>>) src(%dma_wait3A_100 : memref<10240x128xf32, #tpu.memory_space<hbm>>) dst(%arg12 : memref<128x128xf32, #tpu.memory_space<vmem>>)
      %dma_wait3A_101 = arith.constant 0 : i32
      %dma_wait3A_102 = arith.constant 0 : i32
      %dma_wait3A_103 = tpu.memref_slice %arg2[%dma_wait3A_101, %dma_wait3A_102] : memref<10240x128xf32, #tpu.memory_space<hbm>> -> memref<10240x128xf32, #tpu.memory_space<hbm>>
      tpu.wait_indirect_dma semaphore(%arg17 : memref<!tpu.dma_semaphore, #tpu.memory_space<semaphore_mem>>) src(%dma_wait3A_103 : memref<10240x128xf32, #tpu.memory_space<hbm>>) dst(%arg13 : memref<128x128xf32, #tpu.memory_space<vmem>>)
      %dma_start3A_104 = arith.constant 0 : i32
      %dma_start3A_105 = arith.constant 0 : i32
      %dma_start3A_106 = tpu.memref_slice %arg14[%dma_start3A_104, %dma_start3A_105] : memref<10240x128xf32, #tpu.memory_space<vmem_shared>> -> memref<10240x128xf32, #tpu.memory_space<vmem_shared>>
      tpu.enqueue_indirect_dma source(%arg12 : memref<128x128xf32, #tpu.memory_space<vmem>>) target(%dma_start3A_106 : memref<10240x128xf32, #tpu.memory_space<vmem_shared>>) offsets(%arg10 : memref<128xi32, #tpu.memory_space<vmem>>) semaphore(%arg18 : memref<!tpu.dma_semaphore, #tpu.memory_space<semaphore_mem>>) {add = true}
      %dma_start3A_107 = arith.constant 0 : i32
      %dma_start3A_108 = arith.constant 0 : i32
      %dma_start3A_109 = tpu.memref_slice %arg14[%dma_start3A_107, %dma_start3A_108] : memref<10240x128xf32, #tpu.memory_space<vmem_shared>> -> memref<10240x128xf32, #tpu.memory_space<vmem_shared>>
      tpu.enqueue_indirect_dma source(%arg13 : memref<128x128xf32, #tpu.memory_space<vmem>>) target(%dma_start3A_109 : memref<10240x128xf32, #tpu.memory_space<vmem_shared>>) offsets(%arg11 : memref<128xi32, #tpu.memory_space<vmem>>) semaphore(%arg19 : memref<!tpu.dma_semaphore, #tpu.memory_space<semaphore_mem>>) {add = true}
      %dma_wait3A_110 = arith.constant 0 : i32
      %dma_wait3A_111 = arith.constant 0 : i32
      %dma_wait3A_112 = tpu.memref_slice %arg14[%dma_wait3A_110, %dma_wait3A_111] : memref<10240x128xf32, #tpu.memory_space<vmem_shared>> -> memref<10240x128xf32, #tpu.memory_space<vmem_shared>>
      tpu.wait_indirect_dma semaphore(%arg18 : memref<!tpu.dma_semaphore, #tpu.memory_space<semaphore_mem>>) src(%arg12 : memref<128x128xf32, #tpu.memory_space<vmem>>) dst(%dma_wait3A_112 : memref<10240x128xf32, #tpu.memory_space<vmem_shared>>)
      %dma_wait3A_113 = arith.constant 0 : i32
      %dma_wait3A_114 = arith.constant 0 : i32
      %dma_wait3A_115 = tpu.memref_slice %arg14[%dma_wait3A_113, %dma_wait3A_114] : memref<10240x128xf32, #tpu.memory_space<vmem_shared>> -> memref<10240x128xf32, #tpu.memory_space<vmem_shared>>
      tpu.wait_indirect_dma semaphore(%arg19 : memref<!tpu.dma_semaphore, #tpu.memory_space<semaphore_mem>>) src(%arg13 : memref<128x128xf32, #tpu.memory_space<vmem>>) dst(%dma_wait3A_115 : memref<10240x128xf32, #tpu.memory_space<vmem_shared>>)
    }
    %barrier3A_35 = arith.constant 0 : index
    tpu.barrier barrier_id(%barrier3A_35)
    %mul3A_36 = arith.constant 640 : i32
    %mul3A_37 = arith.muli %arg1, %mul3A_36 : i32
    %mul3A_38 = arith.constant 640 : i32
    %mul3A_39 = arith.muli %arg1, %mul3A_38 : i32
    "tpu.region"() ({
      %run_scoped3A = tpu.sem_alloc : memref<!tpu.dma_semaphore, #tpu.memory_space<semaphore_mem>>
      %dma_start3A = arith.constant 0 : i32
      %dma_start3A_40 = tpu.memref_slice %arg7[%arg0, %mul3A_39, %dma_start3A] : memref<2x10240x128xf32, #tpu.memory_space<hbm>> -> memref<1x640x128xf32, #tpu.memory_space<hbm>>
      %dma_start3A_41 = tpu.memref_squeeze %dma_start3A_40 : memref<1x640x128xf32, #tpu.memory_space<hbm>> -> memref<640x128xf32, #tpu.memory_space<hbm>>
      %dma_start3A_42 = arith.constant 0 : i32
      %dma_start3A_43 = tpu.memref_slice %arg14[%mul3A_37, %dma_start3A_42] : memref<10240x128xf32, #tpu.memory_space<vmem_shared>> -> memref<640x128xf32, #tpu.memory_space<vmem_shared>>
      tpu.enqueue_dma source(%dma_start3A_43 : memref<640x128xf32, #tpu.memory_space<vmem_shared>>) target(%dma_start3A_41 : memref<640x128xf32, #tpu.memory_space<hbm>>) target_semaphore(%run_scoped3A : memref<!tpu.dma_semaphore, #tpu.memory_space<semaphore_mem>>)
      %dma_wait3A = arith.constant 0 : i32
      %dma_wait3A_44 = tpu.memref_slice %arg7[%arg0, %mul3A_39, %dma_wait3A] : memref<2x10240x128xf32, #tpu.memory_space<hbm>> -> memref<1x640x128xf32, #tpu.memory_space<hbm>>
      %dma_wait3A_45 = tpu.memref_squeeze %dma_wait3A_44 : memref<1x640x128xf32, #tpu.memory_space<hbm>> -> memref<640x128xf32, #tpu.memory_space<hbm>>
      %dma_wait3A_46 = arith.constant 0 : i32
      %dma_wait3A_47 = tpu.memref_slice %arg14[%mul3A_37, %dma_wait3A_46] : memref<10240x128xf32, #tpu.memory_space<vmem_shared>> -> memref<640x128xf32, #tpu.memory_space<vmem_shared>>
      tpu.wait_dma2 semaphore(%run_scoped3A : memref<!tpu.dma_semaphore, #tpu.memory_space<semaphore_mem>>) src(%dma_wait3A_47 : memref<640x128xf32, #tpu.memory_space<vmem_shared>>) dst(%dma_wait3A_45 : memref<640x128xf32, #tpu.memory_space<hbm>>)
      tpu.yield
    }) : () -> ()
    return
  }
}

#map = affine_map<(d0, d1) -> (0, 0)>
#map1 = affine_map<(d0, d1) -> (0, 0, 0)>
module attributes {stable_mosaic.version = 14 : i64} {
  func.func @body_fn(%arg0: i32, %arg1: i32, %arg2: memref<10240x128xf32, #tpu.memory_space<hbm>>, %arg3: memref<2560x128xi32, #tpu.memory_space<hbm>>, %arg4: memref<2560x128xi32, #tpu.memory_space<hbm>>, %arg5: memref<640x128xf32, #tpu.memory_space<hbm>>, %arg6: memref<128x128xf32, #tpu.memory_space<hbm>>, %arg7: memref<2x10240x128xf32, #tpu.memory_space<hbm>>, %arg8: memref<128xi32, #tpu.memory_space<vmem>>, %arg9: memref<128xi32, #tpu.memory_space<vmem>>, %arg10: memref<128xi32, #tpu.memory_space<vmem>>, %arg11: memref<128xi32, #tpu.memory_space<vmem>>, %arg12: memref<128x128xf32, #tpu.memory_space<vmem>>, %arg13: memref<128x128xf32, #tpu.memory_space<vmem>>, %arg14: memref<10240x128xf32, #tpu.memory_space<vmem_shared>>, %arg15: memref<!tpu.dma_semaphore, #tpu.memory_space<semaphore_mem>>, %arg16: memref<!tpu.dma_semaphore, #tpu.memory_space<semaphore_mem>>, %arg17: memref<!tpu.dma_semaphore, #tpu.memory_space<semaphore_mem>>, %arg18: memref<!tpu.dma_semaphore, #tpu.memory_space<semaphore_mem>>, %arg19: memref<!tpu.dma_semaphore, #tpu.memory_space<semaphore_mem>>) attributes {dimension_semantics = [#tpu.dimension_semantics<core_parallel>, #tpu.dimension_semantics<subcore_parallel>], iteration_bounds = array<i64: 2, 16>, scalar_prefetch = 0 : i64, scratch_operands = 12 : i64, tpu.core_type = #tpu.core_type<sc_vector_subcore>, window_params = [{transform_indices = #map}, {transform_indices = #map}, {transform_indices = #map}, {transform_indices = #map}, {transform_indices = #map}, {transform_indices = #map1}]} {
    %mul3A = arith.constant 640 : i32
    %mul3A_0 = arith.muli %arg1, %mul3A : i32
    "tpu.region"() ({
      %run_scoped3A = tpu.sem_alloc : memref<!tpu.dma_semaphore, #tpu.memory_space<semaphore_mem>>
      %dma_start3A = arith.constant 0 : i32
      %dma_start3A_40 = tpu.memref_slice %arg14[%mul3A_0, %dma_start3A] : memref<10240x128xf32, #tpu.memory_space<vmem_shared>> -> memref<640x128xf32, #tpu.memory_space<vmem_shared>>
      tpu.enqueue_dma source(%arg5 : memref<640x128xf32, #tpu.memory_space<hbm>>) target(%dma_start3A_40 : memref<640x128xf32, #tpu.memory_space<vmem_shared>>) target_semaphore(%run_scoped3A : memref<!tpu.dma_semaphore, #tpu.memory_space<semaphore_mem>>)
      %dma_wait3A = arith.constant 0 : i32
      %dma_wait3A_41 = tpu.memref_slice %arg14[%mul3A_0, %dma_wait3A] : memref<10240x128xf32, #tpu.memory_space<vmem_shared>> -> memref<640x128xf32, #tpu.memory_space<vmem_shared>>
      tpu.wait_dma2 semaphore(%run_scoped3A : memref<!tpu.dma_semaphore, #tpu.memory_space<semaphore_mem>>) src(%arg5 : memref<640x128xf32, #tpu.memory_space<hbm>>) dst(%dma_wait3A_41 : memref<640x128xf32, #tpu.memory_space<vmem_shared>>)
      tpu.yield
    }) : () -> ()
    %eq3A = arith.constant 0 : i32
    %eq3A_1 = arith.cmpi eq, %arg0, %eq3A : i32
    %jit3A = arith.constant 148 : i32
    %jit3A_2 = arith.constant 12 : i32
    %select_n3A = arith.select %eq3A_1, %jit3A, %jit3A_2 : i32
    %mul3A_3 = arith.constant 16 : i32
    %mul3A_4 = arith.muli %arg0, %mul3A_3 : i32
    %mul3A_5 = arith.constant 148 : i32
    %mul3A_6 = arith.muli %mul3A_4, %mul3A_5 : i32
    %mul3A_7 = arith.muli %arg1, %select_n3A : i32
    %add3A = arith.addi %mul3A_6, %mul3A_7 : i32
    %barrier3A = arith.constant 0 : index
    tpu.barrier barrier_id(%barrier3A)
    %jit3A_8 = arith.constant 2 : i32
    %div3A = arith.divsi %select_n3A, %jit3A_8 : i32
    %sign3A = arith.constant 0 : i32
    %sign3A_9 = arith.cmpi sgt, %select_n3A, %sign3A : i32
    %sign3A_10 = arith.extui %sign3A_9 : i1 to i32
    %sign3A_11 = arith.constant 0 : i32
    %sign3A_12 = arith.cmpi slt, %select_n3A, %sign3A_11 : i32
    %sign3A_13 = arith.extui %sign3A_12 : i1 to i32
    %sign3A_14 = arith.subi %sign3A_10, %sign3A_13 : i32
    %sign3A_15 = arith.constant 0 : i32
    %sign3A_16 = arith.cmpi sgt, %jit3A_8, %sign3A_15 : i32
    %sign3A_17 = arith.extui %sign3A_16 : i1 to i32
    %sign3A_18 = arith.constant 0 : i32
    %sign3A_19 = arith.cmpi slt, %jit3A_8, %sign3A_18 : i32
    %sign3A_20 = arith.extui %sign3A_19 : i1 to i32
    %sign3A_21 = arith.subi %sign3A_17, %sign3A_20 : i32
    %ne3A = arith.cmpi ne, %sign3A_14, %sign3A_21 : i32
    %rem3A = arith.remsi %select_n3A, %jit3A_8 : i32
    %ne3A_22 = arith.constant 0 : i32
    %ne3A_23 = arith.cmpi ne, %rem3A, %ne3A_22 : i32
    %and3A = arith.andi %ne3A, %ne3A_23 : i1
    %sub3A = arith.constant 1 : i32
    %sub3A_24 = arith.subi %div3A, %sub3A : i32
    %select_n3A_25 = arith.select %and3A, %sub3A_24, %div3A : i32
    %while3A = arith.constant 0 : i32
    %while3A_26 = arith.constant 0 : i32
    %while3A_27 = arith.subi %select_n3A_25, %while3A_26 : i32
    %while3A_28 = arith.addi %while3A_26, %while3A_27 : i32
    %while3A_29 = arith.constant 1 : i32
    %while3A_30 = arith.divsi %while3A_27, %while3A_29 : i32
    %while3A_31 = arith.muli %while3A_30, %while3A_29 : i32
    %while3A_32 = arith.addi %while3A_26, %while3A_31 : i32
    %while3A_33 = arith.constant 1 : i32
    scf.for %while3A_40 = %while3A_26 to %while3A_32 step %while3A_33  : i32 {
      %mul3A_41 = arith.constant 2 : i32
      %mul3A_42 = arith.muli %mul3A_41, %while3A_40 : i32
      %add3A_43 = arith.addi %add3A, %mul3A_42 : i32
      %add3A_44 = arith.constant 1 : i32
      %add3A_45 = arith.addi %add3A_43, %add3A_44 : i32
      %dma_start3A = arith.constant 0 : i32
      %dma_start3A_46 = tpu.memref_slice %arg3[%add3A_43, %dma_start3A] : memref<2560x128xi32, #tpu.memory_space<hbm>> -> memref<1x128xi32, #tpu.memory_space<hbm>>
      %dma_start3A_47 = tpu.memref_squeeze %dma_start3A_46 : memref<1x128xi32, #tpu.memory_space<hbm>> -> memref<128xi32, #tpu.memory_space<hbm>>
      %dma_start3A_48 = arith.constant 0 : i32
      %dma_start3A_49 = tpu.memref_slice %arg3[%add3A_43, %dma_start3A_48] : memref<2560x128xi32, #tpu.memory_space<hbm>> -> memref<1x128xi32, #tpu.memory_space<hbm>>
      %dma_start3A_50 = tpu.memref_squeeze %dma_start3A_49 : memref<1x128xi32, #tpu.memory_space<hbm>> -> memref<128xi32, #tpu.memory_space<hbm>>
      tpu.enqueue_dma source(%dma_start3A_50 : memref<128xi32, #tpu.memory_space<hbm>>) target(%arg8 : memref<128xi32, #tpu.memory_space<vmem>>) target_semaphore(%arg15 : memref<!tpu.dma_semaphore, #tpu.memory_space<semaphore_mem>>)
      %dma_start3A_51 = arith.constant 0 : i32
      %dma_start3A_52 = tpu.memref_slice %arg4[%add3A_43, %dma_start3A_51] : memref<2560x128xi32, #tpu.memory_space<hbm>> -> memref<1x128xi32, #tpu.memory_space<hbm>>
      %dma_start3A_53 = tpu.memref_squeeze %dma_start3A_52 : memref<1x128xi32, #tpu.memory_space<hbm>> -> memref<128xi32, #tpu.memory_space<hbm>>
      %dma_start3A_54 = arith.constant 0 : i32
      %dma_start3A_55 = tpu.memref_slice %arg4[%add3A_43, %dma_start3A_54] : memref<2560x128xi32, #tpu.memory_space<hbm>> -> memref<1x128xi32, #tpu.memory_space<hbm>>
      %dma_start3A_56 = tpu.memref_squeeze %dma_start3A_55 : memref<1x128xi32, #tpu.memory_space<hbm>> -> memref<128xi32, #tpu.memory_space<hbm>>
      tpu.enqueue_dma source(%dma_start3A_56 : memref<128xi32, #tpu.memory_space<hbm>>) target(%arg10 : memref<128xi32, #tpu.memory_space<vmem>>) target_semaphore(%arg15 : memref<!tpu.dma_semaphore, #tpu.memory_space<semaphore_mem>>)
      %dma_start3A_57 = arith.constant 0 : i32
      %dma_start3A_58 = tpu.memref_slice %arg3[%add3A_45, %dma_start3A_57] : memref<2560x128xi32, #tpu.memory_space<hbm>> -> memref<1x128xi32, #tpu.memory_space<hbm>>
      %dma_start3A_59 = tpu.memref_squeeze %dma_start3A_58 : memref<1x128xi32, #tpu.memory_space<hbm>> -> memref<128xi32, #tpu.memory_space<hbm>>
      %dma_start3A_60 = arith.constant 0 : i32
      %dma_start3A_61 = tpu.memref_slice %arg3[%add3A_45, %dma_start3A_60] : memref<2560x128xi32, #tpu.memory_space<hbm>> -> memref<1x128xi32, #tpu.memory_space<hbm>>
      %dma_start3A_62 = tpu.memref_squeeze %dma_start3A_61 : memref<1x128xi32, #tpu.memory_space<hbm>> -> memref<128xi32, #tpu.memory_space<hbm>>
      tpu.enqueue_dma source(%dma_start3A_62 : memref<128xi32, #tpu.memory_space<hbm>>) target(%arg9 : memref<128xi32, #tpu.memory_space<vmem>>) target_semaphore(%arg15 : memref<!tpu.dma_semaphore, #tpu.memory_space<semaphore_mem>>)
      %dma_start3A_63 = arith.constant 0 : i32
      %dma_start3A_64 = tpu.memref_slice %arg4[%add3A_45, %dma_start3A_63] : memref<2560x128xi32, #tpu.memory_space<hbm>> -> memref<1x128xi32, #tpu.memory_space<hbm>>
      %dma_start3A_65 = tpu.memref_squeeze %dma_start3A_64 : memref<1x128xi32, #tpu.memory_space<hbm>> -> memref<128xi32, #tpu.memory_space<hbm>>
      %dma_start3A_66 = arith.constant 0 : i32
      %dma_start3A_67 = tpu.memref_slice %arg4[%add3A_45, %dma_start3A_66] : memref<2560x128xi32, #tpu.memory_space<hbm>> -> memref<1x128xi32, #tpu.memory_space<hbm>>
      %dma_start3A_68 = tpu.memref_squeeze %dma_start3A_67 : memref<1x128xi32, #tpu.memory_space<hbm>> -> memref<128xi32, #tpu.memory_space<hbm>>
      tpu.enqueue_dma source(%dma_start3A_68 : memref<128xi32, #tpu.memory_space<hbm>>) target(%arg11 : memref<128xi32, #tpu.memory_space<vmem>>) target_semaphore(%arg15 : memref<!tpu.dma_semaphore, #tpu.memory_space<semaphore_mem>>)
      %dma_wait3A = arith.constant 0 : i32
      %dma_wait3A_69 = tpu.memref_slice %arg3[%add3A_43, %dma_wait3A] : memref<2560x128xi32, #tpu.memory_space<hbm>> -> memref<1x128xi32, #tpu.memory_space<hbm>>
      %dma_wait3A_70 = tpu.memref_squeeze %dma_wait3A_69 : memref<1x128xi32, #tpu.memory_space<hbm>> -> memref<128xi32, #tpu.memory_space<hbm>>
      %dma_wait3A_71 = arith.constant 0 : i32
      %dma_wait3A_72 = tpu.memref_slice %arg3[%add3A_43, %dma_wait3A_71] : memref<2560x128xi32, #tpu.memory_space<hbm>> -> memref<1x128xi32, #tpu.memory_space<hbm>>
      %dma_wait3A_73 = tpu.memref_squeeze %dma_wait3A_72 : memref<1x128xi32, #tpu.memory_space<hbm>> -> memref<128xi32, #tpu.memory_space<hbm>>
      tpu.wait_dma2 semaphore(%arg15 : memref<!tpu.dma_semaphore, #tpu.memory_space<semaphore_mem>>) src(%dma_wait3A_73 : memref<128xi32, #tpu.memory_space<hbm>>) dst(%arg8 : memref<128xi32, #tpu.memory_space<vmem>>)
      %dma_wait3A_74 = arith.constant 0 : i32
      %dma_wait3A_75 = tpu.memref_slice %arg4[%add3A_43, %dma_wait3A_74] : memref<2560x128xi32, #tpu.memory_space<hbm>> -> memref<1x128xi32, #tpu.memory_space<hbm>>
      %dma_wait3A_76 = tpu.memref_squeeze %dma_wait3A_75 : memref<1x128xi32, #tpu.memory_space<hbm>> -> memref<128xi32, #tpu.memory_space<hbm>>
      %dma_wait3A_77 = arith.constant 0 : i32
      %dma_wait3A_78 = tpu.memref_slice %arg4[%add3A_43, %dma_wait3A_77] : memref<2560x128xi32, #tpu.memory_space<hbm>> -> memref<1x128xi32, #tpu.memory_space<hbm>>
      %dma_wait3A_79 = tpu.memref_squeeze %dma_wait3A_78 : memref<1x128xi32, #tpu.memory_space<hbm>> -> memref<128xi32, #tpu.memory_space<hbm>>
      tpu.wait_dma2 semaphore(%arg15 : memref<!tpu.dma_semaphore, #tpu.memory_space<semaphore_mem>>) src(%dma_wait3A_79 : memref<128xi32, #tpu.memory_space<hbm>>) dst(%arg10 : memref<128xi32, #tpu.memory_space<vmem>>)
      %dma_wait3A_80 = arith.constant 0 : i32
      %dma_wait3A_81 = tpu.memref_slice %arg3[%add3A_45, %dma_wait3A_80] : memref<2560x128xi32, #tpu.memory_space<hbm>> -> memref<1x128xi32, #tpu.memory_space<hbm>>
      %dma_wait3A_82 = tpu.memref_squeeze %dma_wait3A_81 : memref<1x128xi32, #tpu.memory_space<hbm>> -> memref<128xi32, #tpu.memory_space<hbm>>
      %dma_wait3A_83 = arith.constant 0 : i32
      %dma_wait3A_84 = tpu.memref_slice %arg3[%add3A_45, %dma_wait3A_83] : memref<2560x128xi32, #tpu.memory_space<hbm>> -> memref<1x128xi32, #tpu.memory_space<hbm>>
      %dma_wait3A_85 = tpu.memref_squeeze %dma_wait3A_84 : memref<1x128xi32, #tpu.memory_space<hbm>> -> memref<128xi32, #tpu.memory_space<hbm>>
      tpu.wait_dma2 semaphore(%arg15 : memref<!tpu.dma_semaphore, #tpu.memory_space<semaphore_mem>>) src(%dma_wait3A_85 : memref<128xi32, #tpu.memory_space<hbm>>) dst(%arg9 : memref<128xi32, #tpu.memory_space<vmem>>)
      %dma_wait3A_86 = arith.constant 0 : i32
      %dma_wait3A_87 = tpu.memref_slice %arg4[%add3A_45, %dma_wait3A_86] : memref<2560x128xi32, #tpu.memory_space<hbm>> -> memref<1x128xi32, #tpu.memory_space<hbm>>
      %dma_wait3A_88 = tpu.memref_squeeze %dma_wait3A_87 : memref<1x128xi32, #tpu.memory_space<hbm>> -> memref<128xi32, #tpu.memory_space<hbm>>
      %dma_wait3A_89 = arith.constant 0 : i32
      %dma_wait3A_90 = tpu.memref_slice %arg4[%add3A_45, %dma_wait3A_89] : memref<2560x128xi32, #tpu.memory_space<hbm>> -> memref<1x128xi32, #tpu.memory_space<hbm>>
      %dma_wait3A_91 = tpu.memref_squeeze %dma_wait3A_90 : memref<1x128xi32, #tpu.memory_space<hbm>> -> memref<128xi32, #tpu.memory_space<hbm>>
      tpu.wait_dma2 semaphore(%arg15 : memref<!tpu.dma_semaphore, #tpu.memory_space<semaphore_mem>>) src(%dma_wait3A_91 : memref<128xi32, #tpu.memory_space<hbm>>) dst(%arg11 : memref<128xi32, #tpu.memory_space<vmem>>)
      %dma_start3A_92 = arith.constant 0 : i32
      %dma_start3A_93 = arith.constant 0 : i32
      %dma_start3A_94 = tpu.memref_slice %arg2[%dma_start3A_92, %dma_start3A_93] : memref<10240x128xf32, #tpu.memory_space<hbm>> -> memref<10240x128xf32, #tpu.memory_space<hbm>>
      tpu.enqueue_indirect_dma source(%dma_start3A_94 : memref<10240x128xf32, #tpu.memory_space<hbm>>) target(%arg12 : memref<128x128xf32, #tpu.memory_space<vmem>>) offsets(%arg8 : memref<128xi32, #tpu.memory_space<vmem>>) semaphore(%arg16 : memref<!tpu.dma_semaphore, #tpu.memory_space<semaphore_mem>>)
      %dma_start3A_95 = arith.constant 0 : i32
      %dma_start3A_96 = arith.constant 0 : i32
      %dma_start3A_97 = tpu.memref_slice %arg2[%dma_start3A_95, %dma_start3A_96] : memref<10240x128xf32, #tpu.memory_space<hbm>> -> memref<10240x128xf32, #tpu.memory_space<hbm>>
      tpu.enqueue_indirect_dma source(%dma_start3A_97 : memref<10240x128xf32, #tpu.memory_space<hbm>>) target(%arg13 : memref<128x128xf32, #tpu.memory_space<vmem>>) offsets(%arg9 : memref<128xi32, #tpu.memory_space<vmem>>) semaphore(%arg17 : memref<!tpu.dma_semaphore, #tpu.memory_space<semaphore_mem>>)
      %dma_wait3A_98 = arith.constant 0 : i32
      %dma_wait3A_99 = arith.constant 0 : i32
      %dma_wait3A_100 = tpu.memref_slice %arg2[%dma_wait3A_98, %dma_wait3A_99] : memref<10240x128xf32, #tpu.memory_space<hbm>> -> memref<10240x128xf32, #tpu.memory_space<hbm>>
      tpu.wait_indirect_dma semaphore(%arg16 : memref<!tpu.dma_semaphore, #tpu.memory_space<semaphore_mem>>) src(%dma_wait3A_100 : memref<10240x128xf32, #tpu.memory_space<hbm>>) dst(%arg12 : memref<128x128xf32, #tpu.memory_space<vmem>>)
      %dma_wait3A_101 = arith.constant 0 : i32
      %dma_wait3A_102 = arith.constant 0 : i32
      %dma_wait3A_103 = tpu.memref_slice %arg2[%dma_wait3A_101, %dma_wait3A_102] : memref<10240x128xf32, #tpu.memory_space<hbm>> -> memref<10240x128xf32, #tpu.memory_space<hbm>>
      tpu.wait_indirect_dma semaphore(%arg17 : memref<!tpu.dma_semaphore, #tpu.memory_space<semaphore_mem>>) src(%dma_wait3A_103 : memref<10240x128xf32, #tpu.memory_space<hbm>>) dst(%arg13 : memref<128x128xf32, #tpu.memory_space<vmem>>)
      %dma_start3A_104 = arith.constant 0 : i32
      %dma_start3A_105 = arith.constant 0 : i32
      %dma_start3A_106 = tpu.memref_slice %arg14[%dma_start3A_104, %dma_start3A_105] : memref<10240x128xf32, #tpu.memory_space<vmem_shared>> -> memref<10240x128xf32, #tpu.memory_space<vmem_shared>>
      tpu.enqueue_indirect_dma source(%arg12 : memref<128x128xf32, #tpu.memory_space<vmem>>) target(%dma_start3A_106 : memref<10240x128xf32, #tpu.memory_space<vmem_shared>>) offsets(%arg10 : memref<128xi32, #tpu.memory_space<vmem>>) semaphore(%arg18 : memref<!tpu.dma_semaphore, #tpu.memory_space<semaphore_mem>>) {add = true}
      %dma_start3A_107 = arith.constant 0 : i32
      %dma_start3A_108 = arith.constant 0 : i32
      %dma_start3A_109 = tpu.memref_slice %arg14[%dma_start3A_107, %dma_start3A_108] : memref<10240x128xf32, #tpu.memory_space<vmem_shared>> -> memref<10240x128xf32, #tpu.memory_space<vmem_shared>>
      tpu.enqueue_indirect_dma source(%arg13 : memref<128x128xf32, #tpu.memory_space<vmem>>) target(%dma_start3A_109 : memref<10240x128xf32, #tpu.memory_space<vmem_shared>>) offsets(%arg11 : memref<128xi32, #tpu.memory_space<vmem>>) semaphore(%arg19 : memref<!tpu.dma_semaphore, #tpu.memory_space<semaphore_mem>>) {add = true}
      %dma_wait3A_110 = arith.constant 0 : i32
      %dma_wait3A_111 = arith.constant 0 : i32
      %dma_wait3A_112 = tpu.memref_slice %arg14[%dma_wait3A_110, %dma_wait3A_111] : memref<10240x128xf32, #tpu.memory_space<vmem_shared>> -> memref<10240x128xf32, #tpu.memory_space<vmem_shared>>
      tpu.wait_indirect_dma semaphore(%arg18 : memref<!tpu.dma_semaphore, #tpu.memory_space<semaphore_mem>>) src(%arg12 : memref<128x128xf32, #tpu.memory_space<vmem>>) dst(%dma_wait3A_112 : memref<10240x128xf32, #tpu.memory_space<vmem_shared>>)
      %dma_wait3A_113 = arith.constant 0 : i32
      %dma_wait3A_114 = arith.constant 0 : i32
      %dma_wait3A_115 = tpu.memref_slice %arg14[%dma_wait3A_113, %dma_wait3A_114] : memref<10240x128xf32, #tpu.memory_space<vmem_shared>> -> memref<10240x128xf32, #tpu.memory_space<vmem_shared>>
      tpu.wait_indirect_dma semaphore(%arg19 : memref<!tpu.dma_semaphore, #tpu.memory_space<semaphore_mem>>) src(%arg13 : memref<128x128xf32, #tpu.memory_space<vmem>>) dst(%dma_wait3A_115 : memref<10240x128xf32, #tpu.memory_space<vmem_shared>>)
    }
    %while3A_34 = arith.constant 1 : i32
    scf.for %while3A_40 = %while3A_32 to %while3A_28 step %while3A_34  : i32 {
      %mul3A_41 = arith.constant 2 : i32
      %mul3A_42 = arith.muli %mul3A_41, %while3A_40 : i32
      %add3A_43 = arith.addi %add3A, %mul3A_42 : i32
      %add3A_44 = arith.constant 1 : i32
      %add3A_45 = arith.addi %add3A_43, %add3A_44 : i32
      %dma_start3A = arith.constant 0 : i32
      %dma_start3A_46 = tpu.memref_slice %arg3[%add3A_43, %dma_start3A] : memref<2560x128xi32, #tpu.memory_space<hbm>> -> memref<1x128xi32, #tpu.memory_space<hbm>>
      %dma_start3A_47 = tpu.memref_squeeze %dma_start3A_46 : memref<1x128xi32, #tpu.memory_space<hbm>> -> memref<128xi32, #tpu.memory_space<hbm>>
      %dma_start3A_48 = arith.constant 0 : i32
      %dma_start3A_49 = tpu.memref_slice %arg3[%add3A_43, %dma_start3A_48] : memref<2560x128xi32, #tpu.memory_space<hbm>> -> memref<1x128xi32, #tpu.memory_space<hbm>>
      %dma_start3A_50 = tpu.memref_squeeze %dma_start3A_49 : memref<1x128xi32, #tpu.memory_space<hbm>> -> memref<128xi32, #tpu.memory_space<hbm>>
      tpu.enqueue_dma source(%dma_start3A_50 : memref<128xi32, #tpu.memory_space<hbm>>) target(%arg8 : memref<128xi32, #tpu.memory_space<vmem>>) target_semaphore(%arg15 : memref<!tpu.dma_semaphore, #tpu.memory_space<semaphore_mem>>)
      %dma_start3A_51 = arith.constant 0 : i32
      %dma_start3A_52 = tpu.memref_slice %arg4[%add3A_43, %dma_start3A_51] : memref<2560x128xi32, #tpu.memory_space<hbm>> -> memref<1x128xi32, #tpu.memory_space<hbm>>
      %dma_start3A_53 = tpu.memref_squeeze %dma_start3A_52 : memref<1x128xi32, #tpu.memory_space<hbm>> -> memref<128xi32, #tpu.memory_space<hbm>>
      %dma_start3A_54 = arith.constant 0 : i32
      %dma_start3A_55 = tpu.memref_slice %arg4[%add3A_43, %dma_start3A_54] : memref<2560x128xi32, #tpu.memory_space<hbm>> -> memref<1x128xi32, #tpu.memory_space<hbm>>
      %dma_start3A_56 = tpu.memref_squeeze %dma_start3A_55 : memref<1x128xi32, #tpu.memory_space<hbm>> -> memref<128xi32, #tpu.memory_space<hbm>>
      tpu.enqueue_dma source(%dma_start3A_56 : memref<128xi32, #tpu.memory_space<hbm>>) target(%arg10 : memref<128xi32, #tpu.memory_space<vmem>>) target_semaphore(%arg15 : memref<!tpu.dma_semaphore, #tpu.memory_space<semaphore_mem>>)
      %dma_start3A_57 = arith.constant 0 : i32
      %dma_start3A_58 = tpu.memref_slice %arg3[%add3A_45, %dma_start3A_57] : memref<2560x128xi32, #tpu.memory_space<hbm>> -> memref<1x128xi32, #tpu.memory_space<hbm>>
      %dma_start3A_59 = tpu.memref_squeeze %dma_start3A_58 : memref<1x128xi32, #tpu.memory_space<hbm>> -> memref<128xi32, #tpu.memory_space<hbm>>
      %dma_start3A_60 = arith.constant 0 : i32
      %dma_start3A_61 = tpu.memref_slice %arg3[%add3A_45, %dma_start3A_60] : memref<2560x128xi32, #tpu.memory_space<hbm>> -> memref<1x128xi32, #tpu.memory_space<hbm>>
      %dma_start3A_62 = tpu.memref_squeeze %dma_start3A_61 : memref<1x128xi32, #tpu.memory_space<hbm>> -> memref<128xi32, #tpu.memory_space<hbm>>
      tpu.enqueue_dma source(%dma_start3A_62 : memref<128xi32, #tpu.memory_space<hbm>>) target(%arg9 : memref<128xi32, #tpu.memory_space<vmem>>) target_semaphore(%arg15 : memref<!tpu.dma_semaphore, #tpu.memory_space<semaphore_mem>>)
      %dma_start3A_63 = arith.constant 0 : i32
      %dma_start3A_64 = tpu.memref_slice %arg4[%add3A_45, %dma_start3A_63] : memref<2560x128xi32, #tpu.memory_space<hbm>> -> memref<1x128xi32, #tpu.memory_space<hbm>>
      %dma_start3A_65 = tpu.memref_squeeze %dma_start3A_64 : memref<1x128xi32, #tpu.memory_space<hbm>> -> memref<128xi32, #tpu.memory_space<hbm>>
      %dma_start3A_66 = arith.constant 0 : i32
      %dma_start3A_67 = tpu.memref_slice %arg4[%add3A_45, %dma_start3A_66] : memref<2560x128xi32, #tpu.memory_space<hbm>> -> memref<1x128xi32, #tpu.memory_space<hbm>>
      %dma_start3A_68 = tpu.memref_squeeze %dma_start3A_67 : memref<1x128xi32, #tpu.memory_space<hbm>> -> memref<128xi32, #tpu.memory_space<hbm>>
      tpu.enqueue_dma source(%dma_start3A_68 : memref<128xi32, #tpu.memory_space<hbm>>) target(%arg11 : memref<128xi32, #tpu.memory_space<vmem>>) target_semaphore(%arg15 : memref<!tpu.dma_semaphore, #tpu.memory_space<semaphore_mem>>)
      %dma_wait3A = arith.constant 0 : i32
      %dma_wait3A_69 = tpu.memref_slice %arg3[%add3A_43, %dma_wait3A] : memref<2560x128xi32, #tpu.memory_space<hbm>> -> memref<1x128xi32, #tpu.memory_space<hbm>>
      %dma_wait3A_70 = tpu.memref_squeeze %dma_wait3A_69 : memref<1x128xi32, #tpu.memory_space<hbm>> -> memref<128xi32, #tpu.memory_space<hbm>>
      %dma_wait3A_71 = arith.constant 0 : i32
      %dma_wait3A_72 = tpu.memref_slice %arg3[%add3A_43, %dma_wait3A_71] : memref<2560x128xi32, #tpu.memory_space<hbm>> -> memref<1x128xi32, #tpu.memory_space<hbm>>
      %dma_wait3A_73 = tpu.memref_squeeze %dma_wait3A_72 : memref<1x128xi32, #tpu.memory_space<hbm>> -> memref<128xi32, #tpu.memory_space<hbm>>
      tpu.wait_dma2 semaphore(%arg15 : memref<!tpu.dma_semaphore, #tpu.memory_space<semaphore_mem>>) src(%dma_wait3A_73 : memref<128xi32, #tpu.memory_space<hbm>>) dst(%arg8 : memref<128xi32, #tpu.memory_space<vmem>>)
      %dma_wait3A_74 = arith.constant 0 : i32
      %dma_wait3A_75 = tpu.memref_slice %arg4[%add3A_43, %dma_wait3A_74] : memref<2560x128xi32, #tpu.memory_space<hbm>> -> memref<1x128xi32, #tpu.memory_space<hbm>>
      %dma_wait3A_76 = tpu.memref_squeeze %dma_wait3A_75 : memref<1x128xi32, #tpu.memory_space<hbm>> -> memref<128xi32, #tpu.memory_space<hbm>>
      %dma_wait3A_77 = arith.constant 0 : i32
      %dma_wait3A_78 = tpu.memref_slice %arg4[%add3A_43, %dma_wait3A_77] : memref<2560x128xi32, #tpu.memory_space<hbm>> -> memref<1x128xi32, #tpu.memory_space<hbm>>
      %dma_wait3A_79 = tpu.memref_squeeze %dma_wait3A_78 : memref<1x128xi32, #tpu.memory_space<hbm>> -> memref<128xi32, #tpu.memory_space<hbm>>
      tpu.wait_dma2 semaphore(%arg15 : memref<!tpu.dma_semaphore, #tpu.memory_space<semaphore_mem>>) src(%dma_wait3A_79 : memref<128xi32, #tpu.memory_space<hbm>>) dst(%arg10 : memref<128xi32, #tpu.memory_space<vmem>>)
      %dma_wait3A_80 = arith.constant 0 : i32
      %dma_wait3A_81 = tpu.memref_slice %arg3[%add3A_45, %dma_wait3A_80] : memref<2560x128xi32, #tpu.memory_space<hbm>> -> memref<1x128xi32, #tpu.memory_space<hbm>>
      %dma_wait3A_82 = tpu.memref_squeeze %dma_wait3A_81 : memref<1x128xi32, #tpu.memory_space<hbm>> -> memref<128xi32, #tpu.memory_space<hbm>>
      %dma_wait3A_83 = arith.constant 0 : i32
      %dma_wait3A_84 = tpu.memref_slice %arg3[%add3A_45, %dma_wait3A_83] : memref<2560x128xi32, #tpu.memory_space<hbm>> -> memref<1x128xi32, #tpu.memory_space<hbm>>
      %dma_wait3A_85 = tpu.memref_squeeze %dma_wait3A_84 : memref<1x128xi32, #tpu.memory_space<hbm>> -> memref<128xi32, #tpu.memory_space<hbm>>
      tpu.wait_dma2 semaphore(%arg15 : memref<!tpu.dma_semaphore, #tpu.memory_space<semaphore_mem>>) src(%dma_wait3A_85 : memref<128xi32, #tpu.memory_space<hbm>>) dst(%arg9 : memref<128xi32, #tpu.memory_space<vmem>>)
      %dma_wait3A_86 = arith.constant 0 : i32
      %dma_wait3A_87 = tpu.memref_slice %arg4[%add3A_45, %dma_wait3A_86] : memref<2560x128xi32, #tpu.memory_space<hbm>> -> memref<1x128xi32, #tpu.memory_space<hbm>>
      %dma_wait3A_88 = tpu.memref_squeeze %dma_wait3A_87 : memref<1x128xi32, #tpu.memory_space<hbm>> -> memref<128xi32, #tpu.memory_space<hbm>>
      %dma_wait3A_89 = arith.constant 0 : i32
      %dma_wait3A_90 = tpu.memref_slice %arg4[%add3A_45, %dma_wait3A_89] : memref<2560x128xi32, #tpu.memory_space<hbm>> -> memref<1x128xi32, #tpu.memory_space<hbm>>
      %dma_wait3A_91 = tpu.memref_squeeze %dma_wait3A_90 : memref<1x128xi32, #tpu.memory_space<hbm>> -> memref<128xi32, #tpu.memory_space<hbm>>
      tpu.wait_dma2 semaphore(%arg15 : memref<!tpu.dma_semaphore, #tpu.memory_space<semaphore_mem>>) src(%dma_wait3A_91 : memref<128xi32, #tpu.memory_space<hbm>>) dst(%arg11 : memref<128xi32, #tpu.memory_space<vmem>>)
      %dma_start3A_92 = arith.constant 0 : i32
      %dma_start3A_93 = arith.constant 0 : i32
      %dma_start3A_94 = tpu.memref_slice %arg2[%dma_start3A_92, %dma_start3A_93] : memref<10240x128xf32, #tpu.memory_space<hbm>> -> memref<10240x128xf32, #tpu.memory_space<hbm>>
      tpu.enqueue_indirect_dma source(%dma_start3A_94 : memref<10240x128xf32, #tpu.memory_space<hbm>>) target(%arg12 : memref<128x128xf32, #tpu.memory_space<vmem>>) offsets(%arg8 : memref<128xi32, #tpu.memory_space<vmem>>) semaphore(%arg16 : memref<!tpu.dma_semaphore, #tpu.memory_space<semaphore_mem>>)
      %dma_start3A_95 = arith.constant 0 : i32
      %dma_start3A_96 = arith.constant 0 : i32
      %dma_start3A_97 = tpu.memref_slice %arg2[%dma_start3A_95, %dma_start3A_96] : memref<10240x128xf32, #tpu.memory_space<hbm>> -> memref<10240x128xf32, #tpu.memory_space<hbm>>
      tpu.enqueue_indirect_dma source(%dma_start3A_97 : memref<10240x128xf32, #tpu.memory_space<hbm>>) target(%arg13 : memref<128x128xf32, #tpu.memory_space<vmem>>) offsets(%arg9 : memref<128xi32, #tpu.memory_space<vmem>>) semaphore(%arg17 : memref<!tpu.dma_semaphore, #tpu.memory_space<semaphore_mem>>)
      %dma_wait3A_98 = arith.constant 0 : i32
      %dma_wait3A_99 = arith.constant 0 : i32
      %dma_wait3A_100 = tpu.memref_slice %arg2[%dma_wait3A_98, %dma_wait3A_99] : memref<10240x128xf32, #tpu.memory_space<hbm>> -> memref<10240x128xf32, #tpu.memory_space<hbm>>
      tpu.wait_indirect_dma semaphore(%arg16 : memref<!tpu.dma_semaphore, #tpu.memory_space<semaphore_mem>>) src(%dma_wait3A_100 : memref<10240x128xf32, #tpu.memory_space<hbm>>) dst(%arg12 : memref<128x128xf32, #tpu.memory_space<vmem>>)
      %dma_wait3A_101 = arith.constant 0 : i32
      %dma_wait3A_102 = arith.constant 0 : i32
      %dma_wait3A_103 = tpu.memref_slice %arg2[%dma_wait3A_101, %dma_wait3A_102] : memref<10240x128xf32, #tpu.memory_space<hbm>> -> memref<10240x128xf32, #tpu.memory_space<hbm>>
      tpu.wait_indirect_dma semaphore(%arg17 : memref<!tpu.dma_semaphore, #tpu.memory_space<semaphore_mem>>) src(%dma_wait3A_103 : memref<10240x128xf32, #tpu.memory_space<hbm>>) dst(%arg13 : memref<128x128xf32, #tpu.memory_space<vmem>>)
      %dma_start3A_104 = arith.constant 0 : i32
      %dma_start3A_105 = arith.constant 0 : i32
      %dma_start3A_106 = tpu.memref_slice %arg14[%dma_start3A_104, %dma_start3A_105] : memref<10240x128xf32, #tpu.memory_space<vmem_shared>> -> memref<10240x128xf32, #tpu.memory_space<vmem_shared>>
      tpu.enqueue_indirect_dma source(%arg12 : memref<128x128xf32, #tpu.memory_space<vmem>>) target(%dma_start3A_106 : memref<10240x128xf32, #tpu.memory_space<vmem_shared>>) offsets(%arg10 : memref<128xi32, #tpu.memory_space<vmem>>) semaphore(%arg18 : memref<!tpu.dma_semaphore, #tpu.memory_space<semaphore_mem>>) {add = true}
      %dma_start3A_107 = arith.constant 0 : i32
      %dma_start3A_108 = arith.constant 0 : i32
      %dma_start3A_109 = tpu.memref_slice %arg14[%dma_start3A_107, %dma_start3A_108] : memref<10240x128xf32, #tpu.memory_space<vmem_shared>> -> memref<10240x128xf32, #tpu.memory_space<vmem_shared>>
      tpu.enqueue_indirect_dma source(%arg13 : memref<128x128xf32, #tpu.memory_space<vmem>>) target(%dma_start3A_109 : memref<10240x128xf32, #tpu.memory_space<vmem_shared>>) offsets(%arg11 : memref<128xi32, #tpu.memory_space<vmem>>) semaphore(%arg19 : memref<!tpu.dma_semaphore, #tpu.memory_space<semaphore_mem>>) {add = true}
      %dma_wait3A_110 = arith.constant 0 : i32
      %dma_wait3A_111 = arith.constant 0 : i32
      %dma_wait3A_112 = tpu.memref_slice %arg14[%dma_wait3A_110, %dma_wait3A_111] : memref<10240x128xf32, #tpu.memory_space<vmem_shared>> -> memref<10240x128xf32, #tpu.memory_space<vmem_shared>>
      tpu.wait_indirect_dma semaphore(%arg18 : memref<!tpu.dma_semaphore, #tpu.memory_space<semaphore_mem>>) src(%arg12 : memref<128x128xf32, #tpu.memory_space<vmem>>) dst(%dma_wait3A_112 : memref<10240x128xf32, #tpu.memory_space<vmem_shared>>)
      %dma_wait3A_113 = arith.constant 0 : i32
      %dma_wait3A_114 = arith.constant 0 : i32
      %dma_wait3A_115 = tpu.memref_slice %arg14[%dma_wait3A_113, %dma_wait3A_114] : memref<10240x128xf32, #tpu.memory_space<vmem_shared>> -> memref<10240x128xf32, #tpu.memory_space<vmem_shared>>
      tpu.wait_indirect_dma semaphore(%arg19 : memref<!tpu.dma_semaphore, #tpu.memory_space<semaphore_mem>>) src(%arg13 : memref<128x128xf32, #tpu.memory_space<vmem>>) dst(%dma_wait3A_115 : memref<10240x128xf32, #tpu.memory_space<vmem_shared>>)
    }
    %barrier3A_35 = arith.constant 0 : index
    tpu.barrier barrier_id(%barrier3A_35)
    %mul3A_36 = arith.constant 640 : i32
    %mul3A_37 = arith.muli %arg1, %mul3A_36 : i32
    %mul3A_38 = arith.constant 640 : i32
    %mul3A_39 = arith.muli %arg1, %mul3A_38 : i32
    "tpu.region"() ({
      %run_scoped3A = tpu.sem_alloc : memref<!tpu.dma_semaphore, #tpu.memory_space<semaphore_mem>>
      %dma_start3A = arith.constant 0 : i32
      %dma_start3A_40 = tpu.memref_slice %arg7[%arg0, %mul3A_39, %dma_start3A] : memref<2x10240x128xf32, #tpu.memory_space<hbm>> -> memref<1x640x128xf32, #tpu.memory_space<hbm>>
      %dma_start3A_41 = tpu.memref_squeeze %dma_start3A_40 : memref<1x640x128xf32, #tpu.memory_space<hbm>> -> memref<640x128xf32, #tpu.memory_space<hbm>>
      %dma_start3A_42 = arith.constant 0 : i32
      %dma_start3A_43 = tpu.memref_slice %arg14[%mul3A_37, %dma_start3A_42] : memref<10240x128xf32, #tpu.memory_space<vmem_shared>> -> memref<640x128xf32, #tpu.memory_space<vmem_shared>>
      tpu.enqueue_dma source(%dma_start3A_43 : memref<640x128xf32, #tpu.memory_space<vmem_shared>>) target(%dma_start3A_41 : memref<640x128xf32, #tpu.memory_space<hbm>>) target_semaphore(%run_scoped3A : memref<!tpu.dma_semaphore, #tpu.memory_space<semaphore_mem>>)
      %dma_wait3A = arith.constant 0 : i32
      %dma_wait3A_44 = tpu.memref_slice %arg7[%arg0, %mul3A_39, %dma_wait3A] : memref<2x10240x128xf32, #tpu.memory_space<hbm>> -> memref<1x640x128xf32, #tpu.memory_space<hbm>>
      %dma_wait3A_45 = tpu.memref_squeeze %dma_wait3A_44 : memref<1x640x128xf32, #tpu.memory_space<hbm>> -> memref<640x128xf32, #tpu.memory_space<hbm>>
      %dma_wait3A_46 = arith.constant 0 : i32
      %dma_wait3A_47 = tpu.memref_slice %arg14[%mul3A_37, %dma_wait3A_46] : memref<10240x128xf32, #tpu.memory_space<vmem_shared>> -> memref<640x128xf32, #tpu.memory_space<vmem_shared>>
      tpu.wait_dma2 semaphore(%run_scoped3A : memref<!tpu.dma_semaphore, #tpu.memory_space<semaphore_mem>>) src(%dma_wait3A_47 : memref<640x128xf32, #tpu.memory_space<vmem_shared>>) dst(%dma_wait3A_45 : memref<640x128xf32, #tpu.memory_space<hbm>>)
      tpu.yield
    }) : () -> ()
    return
  }
}

module attributes {stable_mosaic.version = 14 : i64} {
  func.func @_tc_h1_body(%arg0: i32, %arg1: memref<2048x128xf32, #tpu.memory_space<vmem>>, %arg2: memref<1x1x2048xi32, #tpu.memory_space<vmem>>, %arg3: memref<2x2048x128xf32, #tpu.memory_space<vmem>>, %arg4: memref<1000x32xf32, #tpu.memory_space<vmem>>, %arg5: memref<128x128xf32, #tpu.memory_space<vmem>>, %arg6: memref<32x128xf32, #tpu.memory_space<vmem>>, %arg7: memref<2048x128xf32, #tpu.memory_space<vmem>>, %arg8: memref<2048x128xf32, #tpu.memory_space<vmem>>) attributes {dimension_semantics = [#tpu.dimension_semantics<arbitrary>], iteration_bounds = array<i64: 5>, scalar_prefetch = 0 : i64, scratch_operands = 0 : i64, tpu.core_type = #tpu.core_type<tc>, window_params = [{transform_indices = @transform_0, window_bounds = array<i64: 2048, 128>}, {transform_indices = @transform_1, window_bounds = array<i64: 1, 1, 2048>}, {transform_indices = @transform_2, window_bounds = array<i64: 2, 2048, 128>}, {pipeline_mode = #tpu.pipeline_mode<synchronous>, transform_indices = @transform_3, window_bounds = array<i64: 1000, 32>}, {pipeline_mode = #tpu.pipeline_mode<synchronous>, transform_indices = @transform_4, window_bounds = array<i64: 128, 128>}, {pipeline_mode = #tpu.pipeline_mode<synchronous>, transform_indices = @transform_5, window_bounds = array<i64: 32, 128>}, {transform_indices = @transform_6, window_bounds = array<i64: 2048, 128>}, {transform_indices = @transform_7, window_bounds = array<i64: 2048, 128>}]} {
    %get3A = arith.constant 0 : index
    %get3A_0 = arith.constant 0 : index
    %get3A_1 = vector.load %arg4[%get3A, %get3A_0] : memref<1000x32xf32, #tpu.memory_space<vmem>>, vector<1000x32xf32>
    %get3A_2 = arith.constant 0 : index
    %get3A_3 = arith.constant 0 : index
    %get3A_4 = vector.load %arg6[%get3A_2, %get3A_3] : memref<32x128xf32, #tpu.memory_space<vmem>>, vector<32x128xf32>
    %dot_general3A = arith.constant dense<0.000000e+00> : vector<1000x128xf32>
    %dot_general3A_5 = tpu.matmul %get3A_1, %get3A_4, %dot_general3A {dimension_numbers = #tpu.dot_dimension_numbers<[1], [0], [0], [1], [0, 0, 1, 1], [], []>, transpose_lhs_hint = false} : vector<1000x32xf32>, vector<32x128xf32>, vector<1000x128xf32> -> vector<1000x128xf32>
    %get3A_6 = arith.constant 0 : index
    %get3A_7 = arith.constant 0 : index
    %get3A_8 = arith.constant 0 : index
    %get3A_9 = vector.load %arg2[%get3A_6, %get3A_7, %get3A_8] : memref<1x1x2048xi32, #tpu.memory_space<vmem>>, vector<1x1x2048xi32>
    %get3A_10 = vector.shape_cast %get3A_9 : vector<1x1x2048xi32> to vector<2048xi32>
    %iota3A = tpu.iota {dimensions = array<i32: 1>} : vector<2048x1000xi32>
    %broadcast_in_dim3A = vector.shape_cast %get3A_10 : vector<2048xi32> to vector<2048x1xi32>
    %eq3A = vector.broadcast %broadcast_in_dim3A : vector<2048x1xi32> to vector<2048x1000xi32>
    %eq3A_11 = arith.cmpi eq, %iota3A, %eq3A : vector<2048x1000xi32>
    %convert_element_type3A = arith.extui %eq3A_11 : vector<2048x1000xi1> to vector<2048x1000xi32>
    %convert_element_type3A_12 = arith.sitofp %convert_element_type3A : vector<2048x1000xi32> to vector<2048x1000xf32>
    %get3A_13 = arith.constant 0 : index
    %get3A_14 = arith.constant 0 : index
    %get3A_15 = vector.load %arg1[%get3A_13, %get3A_14] : memref<2048x128xf32, #tpu.memory_space<vmem>>, vector<2048x128xf32>
    %get3A_16 = arith.constant 0 : index
    %get3A_17 = arith.constant 0 : index
    %get3A_18 = vector.load %arg5[%get3A_16, %get3A_17] : memref<128x128xf32, #tpu.memory_space<vmem>>, vector<128x128xf32>
    %dot_general3A_19 = arith.constant dense<0.000000e+00> : vector<2048x128xf32>
    %dot_general3A_20 = tpu.matmul %get3A_15, %get3A_18, %dot_general3A_19 {dimension_numbers = #tpu.dot_dimension_numbers<[1], [0], [0], [1], [0, 0, 1, 1], [], []>, transpose_lhs_hint = false} : vector<2048x128xf32>, vector<128x128xf32>, vector<2048x128xf32> -> vector<2048x128xf32>
    %dot_general3A_21 = arith.constant dense<0.000000e+00> : vector<2048x128xf32>
    %dot_general3A_22 = tpu.matmul %convert_element_type3A_12, %dot_general3A_5, %dot_general3A_21 {dimension_numbers = #tpu.dot_dimension_numbers<[1], [0], [0], [1], [0, 0, 1, 1], [], []>, transpose_lhs_hint = false} : vector<2048x1000xf32>, vector<1000x128xf32>, vector<2048x128xf32> -> vector<2048x128xf32>
    %add3A = arith.addf %dot_general3A_20, %dot_general3A_22 : vector<2048x128xf32>
    %get3A_23 = arith.constant 0 : index
    %get3A_24 = arith.constant 0 : index
    %get3A_25 = arith.constant 0 : index
    %get3A_26 = vector.load %arg3[%get3A_23, %get3A_24, %get3A_25] : memref<2x2048x128xf32, #tpu.memory_space<vmem>>, vector<1x2048x128xf32>
    %get3A_27 = vector.shape_cast %get3A_26 : vector<1x2048x128xf32> to vector<2048x128xf32>
    %add3A_28 = arith.constant 1.000000e+00 : f32
    %add3A_29 = vector.broadcast %add3A_28 : f32 to vector<2048x128xf32>
    %add3A_30 = arith.addf %add3A_29, %get3A_27 : vector<2048x128xf32>
    %get3A_31 = arith.constant 1 : index
    %get3A_32 = arith.constant 0 : index
    %get3A_33 = arith.constant 0 : index
    %get3A_34 = vector.load %arg3[%get3A_31, %get3A_32, %get3A_33] : memref<2x2048x128xf32, #tpu.memory_space<vmem>>, vector<1x2048x128xf32>
    %get3A_35 = vector.shape_cast %get3A_34 : vector<1x2048x128xf32> to vector<2048x128xf32>
    %add3A_36 = arith.addf %add3A_30, %get3A_35 : vector<2048x128xf32>
    %slice3A = vector.extract_strided_slice %add3A_36 {offsets = [0, 0], sizes = [2048, 1], strides = [1, 1]} : vector<2048x128xf32> to vector<2048x1xf32>
    %rsqrt3A = math.rsqrt %slice3A : vector<2048x1xf32>
    %swap3A = arith.constant 0 : index
    %swap3A_37 = arith.constant 0 : index
    %swap3A_38 = vector.load %arg7[%swap3A, %swap3A_37] : memref<2048x128xf32, #tpu.memory_space<vmem>>, vector<2048x128xf32>
    tpu.vector_store %arg7[%swap3A, %swap3A_37], %add3A {strides = array<i32>} : memref<2048x128xf32, #tpu.memory_space<vmem>>, vector<2048x128xf32>,
    %mul3A = vector.broadcast %rsqrt3A : vector<2048x1xf32> to vector<2048x128xf32>
    %mul3A_39 = arith.mulf %add3A, %mul3A : vector<2048x128xf32>
    %swap3A_40 = arith.constant 0 : index
    %swap3A_41 = arith.constant 0 : index
    %swap3A_42 = vector.load %arg8[%swap3A_40, %swap3A_41] : memref<2048x128xf32, #tpu.memory_space<vmem>>, vector<2048x128xf32>
    tpu.vector_store %arg8[%swap3A_40, %swap3A_41], %mul3A_39 {strides = array<i32>} : memref<2048x128xf32, #tpu.memory_space<vmem>>, vector<2048x128xf32>,
    return
  }
  func.func @transform_0(%arg0: i32) -> (i32, i32) {
    %c0_i32 = arith.constant 0 : i32
    %c0_i32_0 = arith.constant 0 : i32
    return %arg0, %c0_i32 : i32, i32
  }
  func.func @transform_1(%arg0: i32) -> (i32, i32, i32) {
    %c0_i32 = arith.constant 0 : i32
    %c0_i32_0 = arith.constant 0 : i32
    %c0_i32_1 = arith.constant 0 : i32
    return %arg0, %c0_i32, %c0_i32_0 : i32, i32, i32
  }
  func.func @transform_2(%arg0: i32) -> (i32, i32, i32) {
    %c0_i32 = arith.constant 0 : i32
    %c0_i32_0 = arith.constant 0 : i32
    %c0_i32_1 = arith.constant 0 : i32
    return %c0_i32, %arg0, %c0_i32_0 : i32, i32, i32
  }
  func.func @transform_3(%arg0: i32) -> (i32, i32) {
    %c0_i32 = arith.constant 0 : i32
    %c0_i32_0 = arith.constant 0 : i32
    %c0_i32_1 = arith.constant 0 : i32
    return %c0_i32, %c0_i32_0 : i32, i32
  }
  func.func @transform_4(%arg0: i32) -> (i32, i32) {
    %c0_i32 = arith.constant 0 : i32
    %c0_i32_0 = arith.constant 0 : i32
    %c0_i32_1 = arith.constant 0 : i32
    return %c0_i32, %c0_i32_0 : i32, i32
  }
  func.func @transform_5(%arg0: i32) -> (i32, i32) {
    %c0_i32 = arith.constant 0 : i32
    %c0_i32_0 = arith.constant 0 : i32
    %c0_i32_1 = arith.constant 0 : i32
    return %c0_i32, %c0_i32_0 : i32, i32
  }
  func.func @transform_6(%arg0: i32) -> (i32, i32) {
    %c0_i32 = arith.constant 0 : i32
    %c0_i32_0 = arith.constant 0 : i32
    return %arg0, %c0_i32 : i32, i32
  }
  func.func @transform_7(%arg0: i32) -> (i32, i32) {
    %c0_i32 = arith.constant 0 : i32
    %c0_i32_0 = arith.constant 0 : i32
    return %arg0, %c0_i32 : i32, i32
  }
}

module attributes {stable_mosaic.version = 14 : i64} {
  func.func @_tc_mid_body(%arg0: i32, %arg1: memref<2x2048x128xf32, #tpu.memory_space<vmem>>, %arg2: memref<2048x128xf32, #tpu.memory_space<vmem>>, %arg3: memref<2x2048x128xf32, #tpu.memory_space<vmem>>, %arg4: memref<128x128xf32, #tpu.memory_space<vmem>>, %arg5: memref<1x128xf32, #tpu.memory_space<vmem>>, %arg6: memref<2048x128xf32, #tpu.memory_space<vmem>>, %arg7: memref<2048x128xf32, #tpu.memory_space<vmem>>) attributes {dimension_semantics = [#tpu.dimension_semantics<arbitrary>], iteration_bounds = array<i64: 5>, scalar_prefetch = 0 : i64, scratch_operands = 0 : i64, tpu.core_type = #tpu.core_type<tc>, window_params = [{transform_indices = @transform_0, window_bounds = array<i64: 2, 2048, 128>}, {transform_indices = @transform_1, window_bounds = array<i64: 2048, 128>}, {transform_indices = @transform_2, window_bounds = array<i64: 2, 2048, 128>}, {pipeline_mode = #tpu.pipeline_mode<synchronous>, transform_indices = @transform_3, window_bounds = array<i64: 128, 128>}, {pipeline_mode = #tpu.pipeline_mode<synchronous>, transform_indices = @transform_4, window_bounds = array<i64: 1, 128>}, {transform_indices = @transform_5, window_bounds = array<i64: 2048, 128>}, {transform_indices = @transform_6, window_bounds = array<i64: 2048, 128>}]} {
    %get3A = arith.constant 0 : index
    %get3A_0 = arith.constant 0 : index
    %get3A_1 = arith.constant 0 : index
    %get3A_2 = vector.load %arg3[%get3A, %get3A_0, %get3A_1] : memref<2x2048x128xf32, #tpu.memory_space<vmem>>, vector<1x2048x128xf32>
    %get3A_3 = vector.shape_cast %get3A_2 : vector<1x2048x128xf32> to vector<2048x128xf32>
    %add3A = arith.constant 1.000000e+00 : f32
    %add3A_4 = vector.broadcast %add3A : f32 to vector<2048x128xf32>
    %add3A_5 = arith.addf %add3A_4, %get3A_3 : vector<2048x128xf32>
    %get3A_6 = arith.constant 1 : index
    %get3A_7 = arith.constant 0 : index
    %get3A_8 = arith.constant 0 : index
    %get3A_9 = vector.load %arg3[%get3A_6, %get3A_7, %get3A_8] : memref<2x2048x128xf32, #tpu.memory_space<vmem>>, vector<1x2048x128xf32>
    %get3A_10 = vector.shape_cast %get3A_9 : vector<1x2048x128xf32> to vector<2048x128xf32>
    %add3A_11 = arith.addf %add3A_5, %get3A_10 : vector<2048x128xf32>
    %slice3A = vector.extract_strided_slice %add3A_11 {offsets = [0, 0], sizes = [2048, 1], strides = [1, 1]} : vector<2048x128xf32> to vector<2048x1xf32>
    %rsqrt3A = math.rsqrt %slice3A : vector<2048x1xf32>
    %get3A_12 = arith.constant 0 : index
    %get3A_13 = arith.constant 0 : index
    %get3A_14 = arith.constant 0 : index
    %get3A_15 = vector.load %arg1[%get3A_12, %get3A_13, %get3A_14] : memref<2x2048x128xf32, #tpu.memory_space<vmem>>, vector<1x2048x128xf32>
    %get3A_16 = vector.shape_cast %get3A_15 : vector<1x2048x128xf32> to vector<2048x128xf32>
    %get3A_17 = arith.constant 1 : index
    %get3A_18 = arith.constant 0 : index
    %get3A_19 = arith.constant 0 : index
    %get3A_20 = vector.load %arg1[%get3A_17, %get3A_18, %get3A_19] : memref<2x2048x128xf32, #tpu.memory_space<vmem>>, vector<1x2048x128xf32>
    %get3A_21 = vector.shape_cast %get3A_20 : vector<1x2048x128xf32> to vector<2048x128xf32>
    %add3A_22 = arith.addf %get3A_16, %get3A_21 : vector<2048x128xf32>
    %mul3A = vector.broadcast %rsqrt3A : vector<2048x1xf32> to vector<2048x128xf32>
    %mul3A_23 = arith.mulf %mul3A, %add3A_22 : vector<2048x128xf32>
    %mul3A_24 = arith.mulf %rsqrt3A, %rsqrt3A : vector<2048x1xf32>
    %get3A_25 = arith.constant 0 : index
    %get3A_26 = arith.constant 0 : index
    %get3A_27 = vector.load %arg2[%get3A_25, %get3A_26] : memref<2048x128xf32, #tpu.memory_space<vmem>>, vector<2048x128xf32>
    %mul3A_28 = vector.broadcast %mul3A_24 : vector<2048x1xf32> to vector<2048x128xf32>
    %mul3A_29 = arith.mulf %mul3A_28, %get3A_27 : vector<2048x128xf32>
    %add3A_30 = arith.addf %mul3A_23, %mul3A_29 : vector<2048x128xf32>
    %get3A_31 = arith.constant 0 : index
    %get3A_32 = arith.constant 0 : index
    %get3A_33 = vector.load %arg5[%get3A_31, %get3A_32] : memref<1x128xf32, #tpu.memory_space<vmem>>, vector<1x128xf32>
    %add3A_34 = vector.broadcast %get3A_33 : vector<1x128xf32> to vector<2048x128xf32>
    %add3A_35 = arith.addf %add3A_30, %add3A_34 : vector<2048x128xf32>
    %max3A = arith.constant 0.000000e+00 : f32
    %max3A_36 = vector.broadcast %max3A : f32 to vector<2048x128xf32>
    %max3A_37 = arith.maximumf %add3A_35, %max3A_36 : vector<2048x128xf32>
    %get3A_38 = arith.constant 0 : index
    %get3A_39 = arith.constant 0 : index
    %get3A_40 = vector.load %arg4[%get3A_38, %get3A_39] : memref<128x128xf32, #tpu.memory_space<vmem>>, vector<128x128xf32>
    %dot_general3A = arith.constant dense<0.000000e+00> : vector<2048x128xf32>
    %dot_general3A_41 = tpu.matmul %max3A_37, %get3A_40, %dot_general3A {dimension_numbers = #tpu.dot_dimension_numbers<[1], [0], [0], [1], [0, 0, 1, 1], [], []>, transpose_lhs_hint = false} : vector<2048x128xf32>, vector<128x128xf32>, vector<2048x128xf32> -> vector<2048x128xf32>
    %swap3A = arith.constant 0 : index
    %swap3A_42 = arith.constant 0 : index
    %swap3A_43 = vector.load %arg6[%swap3A, %swap3A_42] : memref<2048x128xf32, #tpu.memory_space<vmem>>, vector<2048x128xf32>
    tpu.vector_store %arg6[%swap3A, %swap3A_42], %dot_general3A_41 {strides = array<i32>} : memref<2048x128xf32, #tpu.memory_space<vmem>>, vector<2048x128xf32>,
    %mul3A_44 = vector.broadcast %rsqrt3A : vector<2048x1xf32> to vector<2048x128xf32>
    %mul3A_45 = arith.mulf %dot_general3A_41, %mul3A_44 : vector<2048x128xf32>
    %swap3A_46 = arith.constant 0 : index
    %swap3A_47 = arith.constant 0 : index
    %swap3A_48 = vector.load %arg7[%swap3A_46, %swap3A_47] : memref<2048x128xf32, #tpu.memory_space<vmem>>, vector<2048x128xf32>
    tpu.vector_store %arg7[%swap3A_46, %swap3A_47], %mul3A_45 {strides = array<i32>} : memref<2048x128xf32, #tpu.memory_space<vmem>>, vector<2048x128xf32>,
    return
  }
  func.func @transform_0(%arg0: i32) -> (i32, i32, i32) {
    %c0_i32 = arith.constant 0 : i32
    %c0_i32_0 = arith.constant 0 : i32
    %c0_i32_1 = arith.constant 0 : i32
    return %c0_i32, %arg0, %c0_i32_0 : i32, i32, i32
  }
  func.func @transform_1(%arg0: i32) -> (i32, i32) {
    %c0_i32 = arith.constant 0 : i32
    %c0_i32_0 = arith.constant 0 : i32
    return %arg0, %c0_i32 : i32, i32
  }
  func.func @transform_2(%arg0: i32) -> (i32, i32, i32) {
    %c0_i32 = arith.constant 0 : i32
    %c0_i32_0 = arith.constant 0 : i32
    %c0_i32_1 = arith.constant 0 : i32
    return %c0_i32, %arg0, %c0_i32_0 : i32, i32, i32
  }
  func.func @transform_3(%arg0: i32) -> (i32, i32) {
    %c0_i32 = arith.constant 0 : i32
    %c0_i32_0 = arith.constant 0 : i32
    %c0_i32_1 = arith.constant 0 : i32
    return %c0_i32, %c0_i32_0 : i32, i32
  }
  func.func @transform_4(%arg0: i32) -> (i32, i32) {
    %c0_i32 = arith.constant 0 : i32
    %c0_i32_0 = arith.constant 0 : i32
    %c0_i32_1 = arith.constant 0 : i32
    return %c0_i32, %c0_i32_0 : i32, i32
  }
  func.func @transform_5(%arg0: i32) -> (i32, i32) {
    %c0_i32 = arith.constant 0 : i32
    %c0_i32_0 = arith.constant 0 : i32
    return %arg0, %c0_i32 : i32, i32
  }
  func.func @transform_6(%arg0: i32) -> (i32, i32) {
    %c0_i32 = arith.constant 0 : i32
    %c0_i32_0 = arith.constant 0 : i32
    return %arg0, %c0_i32 : i32, i32
  }
}

module attributes {stable_mosaic.version = 14 : i64} {
  func.func @_tc_pool_body(%arg0: i32, %arg1: memref<2x2048x128xf32, #tpu.memory_space<vmem>>, %arg2: memref<2048x128xf32, #tpu.memory_space<vmem>>, %arg3: memref<2x2048x128xf32, #tpu.memory_space<vmem>>, %arg4: memref<1x128xf32, #tpu.memory_space<vmem>>, %arg5: memref<1x2048x1xi32, #tpu.memory_space<vmem>>, %arg6: memref<2048x128xf32, #tpu.memory_space<vmem>>, %arg7: memref<64x128xf32, #tpu.memory_space<vmem>>, %arg8: memref<64x128xf32, #tpu.memory_space<vmem>>) attributes {dimension_semantics = [#tpu.dimension_semantics<arbitrary>], iteration_bounds = array<i64: 5>, scalar_prefetch = 0 : i64, scratch_operands = 0 : i64, tpu.core_type = #tpu.core_type<tc>, window_params = [{transform_indices = @transform_0, window_bounds = array<i64: 2, 2048, 128>}, {transform_indices = @transform_1, window_bounds = array<i64: 2048, 128>}, {transform_indices = @transform_2, window_bounds = array<i64: 2, 2048, 128>}, {pipeline_mode = #tpu.pipeline_mode<synchronous>, transform_indices = @transform_3, window_bounds = array<i64: 1, 128>}, {transform_indices = @transform_4, window_bounds = array<i64: 1, 2048, 1>}, {transform_indices = @transform_5, window_bounds = array<i64: 2048, 128>}, {pipeline_mode = #tpu.pipeline_mode<synchronous>, transform_indices = @transform_6, window_bounds = array<i64: 64, 128>}, {pipeline_mode = #tpu.pipeline_mode<synchronous>, transform_indices = @transform_7, window_bounds = array<i64: 64, 128>}]} {
    %get3A = arith.constant 0 : index
    %get3A_0 = arith.constant 0 : index
    %get3A_1 = arith.constant 0 : index
    %get3A_2 = vector.load %arg3[%get3A, %get3A_0, %get3A_1] : memref<2x2048x128xf32, #tpu.memory_space<vmem>>, vector<1x2048x128xf32>
    %get3A_3 = vector.shape_cast %get3A_2 : vector<1x2048x128xf32> to vector<2048x128xf32>
    %add3A = arith.constant 1.000000e+00 : f32
    %add3A_4 = vector.broadcast %add3A : f32 to vector<2048x128xf32>
    %add3A_5 = arith.addf %add3A_4, %get3A_3 : vector<2048x128xf32>
    %get3A_6 = arith.constant 1 : index
    %get3A_7 = arith.constant 0 : index
    %get3A_8 = arith.constant 0 : index
    %get3A_9 = vector.load %arg3[%get3A_6, %get3A_7, %get3A_8] : memref<2x2048x128xf32, #tpu.memory_space<vmem>>, vector<1x2048x128xf32>
    %get3A_10 = vector.shape_cast %get3A_9 : vector<1x2048x128xf32> to vector<2048x128xf32>
    %add3A_11 = arith.addf %add3A_5, %get3A_10 : vector<2048x128xf32>
    %slice3A = vector.extract_strided_slice %add3A_11 {offsets = [0, 0], sizes = [2048, 1], strides = [1, 1]} : vector<2048x128xf32> to vector<2048x1xf32>
    %rsqrt3A = math.rsqrt %slice3A : vector<2048x1xf32>
    %get3A_12 = arith.constant 0 : index
    %get3A_13 = arith.constant 0 : index
    %get3A_14 = arith.constant 0 : index
    %get3A_15 = vector.load %arg1[%get3A_12, %get3A_13, %get3A_14] : memref<2x2048x128xf32, #tpu.memory_space<vmem>>, vector<1x2048x128xf32>
    %get3A_16 = vector.shape_cast %get3A_15 : vector<1x2048x128xf32> to vector<2048x128xf32>
    %get3A_17 = arith.constant 1 : index
    %get3A_18 = arith.constant 0 : index
    %get3A_19 = arith.constant 0 : index
    %get3A_20 = vector.load %arg1[%get3A_17, %get3A_18, %get3A_19] : memref<2x2048x128xf32, #tpu.memory_space<vmem>>, vector<1x2048x128xf32>
    %get3A_21 = vector.shape_cast %get3A_20 : vector<1x2048x128xf32> to vector<2048x128xf32>
    %add3A_22 = arith.addf %get3A_16, %get3A_21 : vector<2048x128xf32>
    %mul3A = vector.broadcast %rsqrt3A : vector<2048x1xf32> to vector<2048x128xf32>
    %mul3A_23 = arith.mulf %mul3A, %add3A_22 : vector<2048x128xf32>
    %mul3A_24 = arith.mulf %rsqrt3A, %rsqrt3A : vector<2048x1xf32>
    %get3A_25 = arith.constant 0 : index
    %get3A_26 = arith.constant 0 : index
    %get3A_27 = vector.load %arg2[%get3A_25, %get3A_26] : memref<2048x128xf32, #tpu.memory_space<vmem>>, vector<2048x128xf32>
    %mul3A_28 = vector.broadcast %mul3A_24 : vector<2048x1xf32> to vector<2048x128xf32>
    %mul3A_29 = arith.mulf %mul3A_28, %get3A_27 : vector<2048x128xf32>
    %add3A_30 = arith.addf %mul3A_23, %mul3A_29 : vector<2048x128xf32>
    %get3A_31 = arith.constant 0 : index
    %get3A_32 = arith.constant 0 : index
    %get3A_33 = vector.load %arg4[%get3A_31, %get3A_32] : memref<1x128xf32, #tpu.memory_space<vmem>>, vector<1x128xf32>
    %add3A_34 = vector.broadcast %get3A_33 : vector<1x128xf32> to vector<2048x128xf32>
    %add3A_35 = arith.addf %add3A_30, %add3A_34 : vector<2048x128xf32>
    %max3A = arith.constant 0.000000e+00 : f32
    %max3A_36 = vector.broadcast %max3A : f32 to vector<2048x128xf32>
    %max3A_37 = arith.maximumf %add3A_35, %max3A_36 : vector<2048x128xf32>
    %swap3A = arith.constant 0 : index
    %swap3A_38 = arith.constant 0 : index
    %swap3A_39 = vector.load %arg6[%swap3A, %swap3A_38] : memref<2048x128xf32, #tpu.memory_space<vmem>>, vector<2048x128xf32>
    tpu.vector_store %arg6[%swap3A, %swap3A_38], %max3A_37 {strides = array<i32>} : memref<2048x128xf32, #tpu.memory_space<vmem>>, vector<2048x128xf32>,
    %get3A_40 = arith.constant 0 : index
    %get3A_41 = arith.constant 0 : index
    %get3A_42 = arith.constant 0 : index
    %get3A_43 = vector.load %arg5[%get3A_40, %get3A_41, %get3A_42] : memref<1x2048x1xi32, #tpu.memory_space<vmem>>, vector<1x2048x1xi32>
    %get3A_44 = vector.shape_cast %get3A_43 : vector<1x2048x1xi32> to vector<2048x1xi32>
    %eq3A = arith.constant 0 : i32
    %eq3A_45 = arith.cmpi eq, %arg0, %eq3A : i32
    %convert_element_type3A = arith.extui %eq3A_45 : i1 to i32
    %cond3A = arith.constant 0 : i32
    %cond3A_46 = arith.cmpi ne, %convert_element_type3A, %cond3A : i32
    scf.if %cond3A_46 {
      %broadcast_in_dim3A = arith.constant 0xFF800000 : f32
      %broadcast_in_dim3A_66 = vector.broadcast %broadcast_in_dim3A : f32 to vector<64x128xf32>
      %swap3A_67 = arith.constant 0 : index
      %swap3A_68 = arith.constant 0 : index
      %swap3A_69 = vector.load %arg7[%swap3A_67, %swap3A_68] : memref<64x128xf32, #tpu.memory_space<vmem>>, vector<64x128xf32>
      tpu.vector_store %arg7[%swap3A_67, %swap3A_68], %broadcast_in_dim3A_66 {strides = array<i32>} : memref<64x128xf32, #tpu.memory_space<vmem>>, vector<64x128xf32>,
      %broadcast_in_dim3A_70 = arith.constant 0.000000e+00 : f32
      %broadcast_in_dim3A_71 = vector.broadcast %broadcast_in_dim3A_70 : f32 to vector<64x128xf32>
      %swap3A_72 = arith.constant 0 : index
      %swap3A_73 = arith.constant 0 : index
      %swap3A_74 = vector.load %arg8[%swap3A_72, %swap3A_73] : memref<64x128xf32, #tpu.memory_space<vmem>>, vector<64x128xf32>
      tpu.vector_store %arg8[%swap3A_72, %swap3A_73], %broadcast_in_dim3A_71 {strides = array<i32>} : memref<64x128xf32, #tpu.memory_space<vmem>>, vector<64x128xf32>,
    } else {
    }
    %reduce_min3A = vector.shape_cast %get3A_44 : vector<2048x1xi32> to vector<1x2048x1xi32>
    %reduce_min3A_47 = arith.constant dense<2147483647> : vector<1xi32>
    %reduce_min3A_48 = vector.multi_reduction <minsi>, %reduce_min3A, %reduce_min3A_47 [1, 2] : vector<1x2048x1xi32> to vector<1xi32>
    %reduce_min3A_49 = vector.shape_cast %reduce_min3A_48 : vector<1xi32> to vector<1x1x1xi32>
    %reduce_min3A_50 = vector.extract %reduce_min3A_49[0, 0, 0] : i32 from vector<1x1x1xi32>
    %reduce_max3A = vector.shape_cast %get3A_44 : vector<2048x1xi32> to vector<1x2048x1xi32>
    %reduce_max3A_51 = arith.constant dense<-2147483648> : vector<1xi32>
    %reduce_max3A_52 = vector.multi_reduction <maxsi>, %reduce_max3A, %reduce_max3A_51 [1, 2] : vector<1x2048x1xi32> to vector<1xi32>
    %reduce_max3A_53 = vector.shape_cast %reduce_max3A_52 : vector<1xi32> to vector<1x1x1xi32>
    %reduce_max3A_54 = vector.extract %reduce_max3A_53[0, 0, 0] : i32 from vector<1x1x1xi32>
    %min3A = arith.constant 63 : i32
    %min3A_55 = arith.minsi %reduce_max3A_54, %min3A : i32
    %add3A_56 = arith.constant 1 : i32
    %add3A_57 = arith.addi %min3A_55, %add3A_56 : i32
    %while3A = arith.constant 0 : i32
    %while3A_58 = arith.subi %add3A_57, %reduce_min3A_50 : i32
    %while3A_59 = arith.addi %reduce_min3A_50, %while3A_58 : i32
    %while3A_60 = arith.constant 1 : i32
    %while3A_61 = arith.divsi %while3A_58, %while3A_60 : i32
    %while3A_62 = arith.muli %while3A_61, %while3A_60 : i32
    %while3A_63 = arith.addi %reduce_min3A_50, %while3A_62 : i32
    %while3A_64 = arith.constant 1 : i32
    scf.for %while3A_66 = %reduce_min3A_50 to %while3A_63 step %while3A_64  : i32 {
      %eq3A_67 = vector.broadcast %while3A_66 : i32 to vector<2048x1xi32>
      %eq3A_68 = arith.cmpi eq, %get3A_44, %eq3A_67 : vector<2048x1xi32>
      %jit3A = arith.constant 0xFF800000 : f32
      %broadcast_in_dim3A = vector.shape_cast %eq3A_68 : vector<2048x1xi1> to vector<2048x1xi1>
      %broadcast_in_dim3A_69 = vector.broadcast %broadcast_in_dim3A : vector<2048x1xi1> to vector<2048x128xi1>
      %broadcast_in_dim3A_70 = vector.broadcast %jit3A : f32 to vector<2048x128xf32>
      %select_n3A = arith.select %broadcast_in_dim3A_69, %max3A_37, %broadcast_in_dim3A_70 : vector<2048x128xi1>, vector<2048x128xf32>
      %reduce_max3A_71 = arith.constant dense<0xFF800000> : vector<128xf32>
      %reduce_max3A_72 = vector.multi_reduction <maximumf>, %select_n3A, %reduce_max3A_71 [0] : vector<2048x128xf32> to vector<128xf32>
      %get3A_73 = arith.index_cast %while3A_66 : i32 to index
      %get3A_74 = arith.constant 0 : index
      %get3A_75 = vector.load %arg7[%get3A_73, %get3A_74] : memref<64x128xf32, #tpu.memory_space<vmem>>, vector<1x128xf32>
      %broadcast_in_dim3A_76 = vector.shape_cast %reduce_max3A_72 : vector<128xf32> to vector<1x128xf32>
      %max3A_77 = arith.maximumf %get3A_75, %broadcast_in_dim3A_76 : vector<1x128xf32>
      %swap3A_78 = arith.index_cast %while3A_66 : i32 to index
      %swap3A_79 = arith.constant 0 : index
      %swap3A_80 = vector.load %arg7[%swap3A_78, %swap3A_79] : memref<64x128xf32, #tpu.memory_space<vmem>>, vector<1x128xf32>
      tpu.vector_store %arg7[%swap3A_78, %swap3A_79], %max3A_77 {strides = array<i32>} : memref<64x128xf32, #tpu.memory_space<vmem>>, vector<1x128xf32>,
      %convert_element_type3A_81 = arith.extui %eq3A_68 : vector<2048x1xi1> to vector<2048x1xi32>
      %convert_element_type3A_82 = arith.sitofp %convert_element_type3A_81 : vector<2048x1xi32> to vector<2048x1xf32>
      %reduce_sum3A = vector.shape_cast %convert_element_type3A_82 : vector<2048x1xf32> to vector<1x2048x1xf32>
      %reduce_sum3A_83 = arith.constant dense<0.000000e+00> : vector<1xf32>
      %reduce_sum3A_84 = vector.multi_reduction <add>, %reduce_sum3A, %reduce_sum3A_83 [1, 2] : vector<1x2048x1xf32> to vector<1xf32>
      %reduce_sum3A_85 = vector.shape_cast %reduce_sum3A_84 : vector<1xf32> to vector<1x1x1xf32>
      %reduce_sum3A_86 = vector.extract %reduce_sum3A_85[0, 0, 0] : f32 from vector<1x1x1xf32>
      %get3A_87 = arith.index_cast %while3A_66 : i32 to index
      %get3A_88 = arith.constant 0 : index
      %get3A_89 = vector.load %arg8[%get3A_87, %get3A_88] : memref<64x128xf32, #tpu.memory_space<vmem>>, vector<1x128xf32>
      %add3A_90 = vector.broadcast %reduce_sum3A_86 : f32 to vector<1x128xf32>
      %add3A_91 = arith.addf %get3A_89, %add3A_90 : vector<1x128xf32>
      %swap3A_92 = arith.index_cast %while3A_66 : i32 to index
      %swap3A_93 = arith.constant 0 : index
      %swap3A_94 = vector.load %arg8[%swap3A_92, %swap3A_93] : memref<64x128xf32, #tpu.memory_space<vmem>>, vector<1x128xf32>
      tpu.vector_store %arg8[%swap3A_92, %swap3A_93], %add3A_91 {strides = array<i32>} : memref<64x128xf32, #tpu.memory_space<vmem>>, vector<1x128xf32>,
    }
    %while3A_65 = arith.constant 1 : i32
    scf.for %while3A_66 = %while3A_63 to %while3A_59 step %while3A_65  : i32 {
      %eq3A_67 = vector.broadcast %while3A_66 : i32 to vector<2048x1xi32>
      %eq3A_68 = arith.cmpi eq, %get3A_44, %eq3A_67 : vector<2048x1xi32>
      %jit3A = arith.constant 0xFF800000 : f32
      %broadcast_in_dim3A = vector.shape_cast %eq3A_68 : vector<2048x1xi1> to vector<2048x1xi1>
      %broadcast_in_dim3A_69 = vector.broadcast %broadcast_in_dim3A : vector<2048x1xi1> to vector<2048x128xi1>
      %broadcast_in_dim3A_70 = vector.broadcast %jit3A : f32 to vector<2048x128xf32>
      %select_n3A = arith.select %broadcast_in_dim3A_69, %max3A_37, %broadcast_in_dim3A_70 : vector<2048x128xi1>, vector<2048x128xf32>
      %reduce_max3A_71 = arith.constant dense<0xFF800000> : vector<128xf32>
      %reduce_max3A_72 = vector.multi_reduction <maximumf>, %select_n3A, %reduce_max3A_71 [0] : vector<2048x128xf32> to vector<128xf32>
      %get3A_73 = arith.index_cast %while3A_66 : i32 to index
      %get3A_74 = arith.constant 0 : index
      %get3A_75 = vector.load %arg7[%get3A_73, %get3A_74] : memref<64x128xf32, #tpu.memory_space<vmem>>, vector<1x128xf32>
      %broadcast_in_dim3A_76 = vector.shape_cast %reduce_max3A_72 : vector<128xf32> to vector<1x128xf32>
      %max3A_77 = arith.maximumf %get3A_75, %broadcast_in_dim3A_76 : vector<1x128xf32>
      %swap3A_78 = arith.index_cast %while3A_66 : i32 to index
      %swap3A_79 = arith.constant 0 : index
      %swap3A_80 = vector.load %arg7[%swap3A_78, %swap3A_79] : memref<64x128xf32, #tpu.memory_space<vmem>>, vector<1x128xf32>
      tpu.vector_store %arg7[%swap3A_78, %swap3A_79], %max3A_77 {strides = array<i32>} : memref<64x128xf32, #tpu.memory_space<vmem>>, vector<1x128xf32>,
      %convert_element_type3A_81 = arith.extui %eq3A_68 : vector<2048x1xi1> to vector<2048x1xi32>
      %convert_element_type3A_82 = arith.sitofp %convert_element_type3A_81 : vector<2048x1xi32> to vector<2048x1xf32>
      %reduce_sum3A = vector.shape_cast %convert_element_type3A_82 : vector<2048x1xf32> to vector<1x2048x1xf32>
      %reduce_sum3A_83 = arith.constant dense<0.000000e+00> : vector<1xf32>
      %reduce_sum3A_84 = vector.multi_reduction <add>, %reduce_sum3A, %reduce_sum3A_83 [1, 2] : vector<1x2048x1xf32> to vector<1xf32>
      %reduce_sum3A_85 = vector.shape_cast %reduce_sum3A_84 : vector<1xf32> to vector<1x1x1xf32>
      %reduce_sum3A_86 = vector.extract %reduce_sum3A_85[0, 0, 0] : f32 from vector<1x1x1xf32>
      %get3A_87 = arith.index_cast %while3A_66 : i32 to index
      %get3A_88 = arith.constant 0 : index
      %get3A_89 = vector.load %arg8[%get3A_87, %get3A_88] : memref<64x128xf32, #tpu.memory_space<vmem>>, vector<1x128xf32>
      %add3A_90 = vector.broadcast %reduce_sum3A_86 : f32 to vector<1x128xf32>
      %add3A_91 = arith.addf %get3A_89, %add3A_90 : vector<1x128xf32>
      %swap3A_92 = arith.index_cast %while3A_66 : i32 to index
      %swap3A_93 = arith.constant 0 : index
      %swap3A_94 = vector.load %arg8[%swap3A_92, %swap3A_93] : memref<64x128xf32, #tpu.memory_space<vmem>>, vector<1x128xf32>
      tpu.vector_store %arg8[%swap3A_92, %swap3A_93], %add3A_91 {strides = array<i32>} : memref<64x128xf32, #tpu.memory_space<vmem>>, vector<1x128xf32>,
    }
    return
  }
  func.func @transform_0(%arg0: i32) -> (i32, i32, i32) {
    %c0_i32 = arith.constant 0 : i32
    %c0_i32_0 = arith.constant 0 : i32
    %c0_i32_1 = arith.constant 0 : i32
    return %c0_i32, %arg0, %c0_i32_0 : i32, i32, i32
  }
  func.func @transform_1(%arg0: i32) -> (i32, i32) {
    %c0_i32 = arith.constant 0 : i32
    %c0_i32_0 = arith.constant 0 : i32
    return %arg0, %c0_i32 : i32, i32
  }
  func.func @transform_2(%arg0: i32) -> (i32, i32, i32) {
    %c0_i32 = arith.constant 0 : i32
    %c0_i32_0 = arith.constant 0 : i32
    %c0_i32_1 = arith.constant 0 : i32
    return %c0_i32, %arg0, %c0_i32_0 : i32, i32, i32
  }
  func.func @transform_3(%arg0: i32) -> (i32, i32) {
    %c0_i32 = arith.constant 0 : i32
    %c0_i32_0 = arith.constant 0 : i32
    %c0_i32_1 = arith.constant 0 : i32
    return %c0_i32, %c0_i32_0 : i32, i32
  }
  func.func @transform_4(%arg0: i32) -> (i32, i32, i32) {
    %c0_i32 = arith.constant 0 : i32
    %c0_i32_0 = arith.constant 0 : i32
    %c0_i32_1 = arith.constant 0 : i32
    return %arg0, %c0_i32, %c0_i32_0 : i32, i32, i32
  }
  func.func @transform_5(%arg0: i32) -> (i32, i32) {
    %c0_i32 = arith.constant 0 : i32
    %c0_i32_0 = arith.constant 0 : i32
    return %arg0, %c0_i32 : i32, i32
  }
  func.func @transform_6(%arg0: i32) -> (i32, i32) {
    %c0_i32 = arith.constant 0 : i32
    %c0_i32_0 = arith.constant 0 : i32
    %c0_i32_1 = arith.constant 0 : i32
    return %c0_i32, %c0_i32_0 : i32, i32
  }
  func.func @transform_7(%arg0: i32) -> (i32, i32) {
    %c0_i32 = arith.constant 0 : i32
    %c0_i32_0 = arith.constant 0 : i32
    %c0_i32_1 = arith.constant 0 : i32
    return %c0_i32, %c0_i32_0 : i32, i32
  }
}

module attributes {stable_mosaic.version = 14 : i64} {
  func.func @_tc_final_body(%arg0: memref<10240x128xf32, #tpu.memory_space<vmem>>, %arg1: memref<64x128xf32, #tpu.memory_space<vmem>>, %arg2: memref<64x128xf32, #tpu.memory_space<vmem>>, %arg3: memref<64x128xf32, #tpu.memory_space<vmem>>, %arg4: memref<64x128xf32, #tpu.memory_space<vmem>>, %arg5: memref<640x128xf32, #tpu.memory_space<vmem>>, %arg6: memref<1x128xf32, #tpu.memory_space<vmem>>, %arg7: memref<128x128xf32, #tpu.memory_space<vmem>>, %arg8: memref<1x128xf32, #tpu.memory_space<vmem>>, %arg9: memref<64x128xf32, #tpu.memory_space<vmem>>) attributes {dimension_semantics = [], scalar_prefetch = 0 : i64, scratch_operands = 0 : i64, tpu.core_type = #tpu.core_type<tc>} {
    %get3A = arith.constant 0 : index
    %get3A_0 = arith.constant 0 : index
    %get3A_1 = vector.load %arg2[%get3A, %get3A_0] : memref<64x128xf32, #tpu.memory_space<vmem>>, vector<64x128xf32>
    %iota3A = tpu.iota {dimensions = array<i32: 0>} : vector<64x64xi32>
    %iota3A_2 = tpu.iota {dimensions = array<i32: 1>} : vector<64x64xi32>
    %gt3A = arith.cmpi sgt, %iota3A, %iota3A_2 : vector<64x64xi32>
    %convert_element_type3A = arith.extui %gt3A : vector<64x64xi1> to vector<64x64xi32>
    %convert_element_type3A_3 = arith.sitofp %convert_element_type3A : vector<64x64xi32> to vector<64x64xf32>
    %dot_general3A = arith.constant dense<0.000000e+00> : vector<64x128xf32>
    %dot_general3A_4 = tpu.matmul %convert_element_type3A_3, %get3A_1, %dot_general3A {dimension_numbers = #tpu.dot_dimension_numbers<[1], [0], [0], [1], [0, 0, 1, 1], [], []>, transpose_lhs_hint = false} : vector<64x64xf32>, vector<64x128xf32>, vector<64x128xf32> -> vector<64x128xf32>
    %get3A_5 = arith.constant 0 : index
    %get3A_6 = arith.constant 0 : index
    %get3A_7 = vector.load %arg3[%get3A_5, %get3A_6] : memref<64x128xf32, #tpu.memory_space<vmem>>, vector<64x128xf32>
    %add3A = arith.addf %dot_general3A_4, %get3A_7 : vector<64x128xf32>
    %slice3A = vector.extract_strided_slice %add3A {offsets = [0, 0], sizes = [64, 1], strides = [1, 1]} : vector<64x128xf32> to vector<64x1xf32>
    %get3A_8 = arith.constant 0 : index
    %get3A_9 = arith.constant 0 : index
    %get3A_10 = vector.load %arg4[%get3A_8, %get3A_9] : memref<64x128xf32, #tpu.memory_space<vmem>>, vector<64x128xf32>
    %add3A_11 = arith.addf %dot_general3A_4, %get3A_10 : vector<64x128xf32>
    %slice3A_12 = vector.extract_strided_slice %add3A_11 {offsets = [0, 0], sizes = [64, 1], strides = [1, 1]} : vector<64x128xf32> to vector<64x1xf32>
    %iota3A_13 = tpu.iota {dimensions = array<i32: 1>} : vector<64x10240xi32>
    %convert_element_type3A_14 = arith.fptosi %slice3A : vector<64x1xf32> to vector<64x1xi32>
    %eq3A = vector.broadcast %convert_element_type3A_14 : vector<64x1xi32> to vector<64x10240xi32>
    %eq3A_15 = arith.cmpi eq, %iota3A_13, %eq3A : vector<64x10240xi32>
    %convert_element_type3A_16 = arith.extui %eq3A_15 : vector<64x10240xi1> to vector<64x10240xi32>
    %convert_element_type3A_17 = arith.sitofp %convert_element_type3A_16 : vector<64x10240xi32> to vector<64x10240xf32>
    %convert_element_type3A_18 = arith.fptosi %slice3A_12 : vector<64x1xf32> to vector<64x1xi32>
    %eq3A_19 = vector.broadcast %convert_element_type3A_18 : vector<64x1xi32> to vector<64x10240xi32>
    %eq3A_20 = arith.cmpi eq, %iota3A_13, %eq3A_19 : vector<64x10240xi32>
    %convert_element_type3A_21 = arith.extui %eq3A_20 : vector<64x10240xi1> to vector<64x10240xi32>
    %convert_element_type3A_22 = arith.sitofp %convert_element_type3A_21 : vector<64x10240xi32> to vector<64x10240xf32>
    %get3A_23 = arith.constant 0 : index
    %get3A_24 = arith.constant 0 : index
    %get3A_25 = vector.load %arg0[%get3A_23, %get3A_24] : memref<10240x128xf32, #tpu.memory_space<vmem>>, vector<10240x128xf32>
    %dot_general3A_26 = arith.constant dense<0.000000e+00> : vector<64x128xf32>
    %dot_general3A_27 = tpu.matmul %convert_element_type3A_17, %get3A_25, %dot_general3A_26 {dimension_numbers = #tpu.dot_dimension_numbers<[1], [0], [0], [1], [0, 0, 1, 1], [], []>, transpose_lhs_hint = false} : vector<64x10240xf32>, vector<10240x128xf32>, vector<64x128xf32> -> vector<64x128xf32>
    %dot_general3A_28 = arith.constant dense<0.000000e+00> : vector<64x128xf32>
    %dot_general3A_29 = tpu.matmul %convert_element_type3A_22, %get3A_25, %dot_general3A_28 {dimension_numbers = #tpu.dot_dimension_numbers<[1], [0], [0], [1], [0, 0, 1, 1], [], []>, transpose_lhs_hint = false} : vector<64x10240xf32>, vector<10240x128xf32>, vector<64x128xf32> -> vector<64x128xf32>
    %sub3A = arith.subf %dot_general3A_27, %dot_general3A_29 : vector<64x128xf32>
    %abs3A = math.absf %sub3A : vector<64x128xf32>
    %mul3A = arith.mulf %dot_general3A_27, %dot_general3A_29 : vector<64x128xf32>
    %get3A_30 = arith.constant 0 : index
    %get3A_31 = arith.constant 0 : index
    %get3A_32 = vector.load %arg1[%get3A_30, %get3A_31] : memref<64x128xf32, #tpu.memory_space<vmem>>, vector<64x128xf32>
    %concatenate3A = tpu.concatenate %dot_general3A_27, %dot_general3A_29, %abs3A, %mul3A, %get3A_32 in 1 : vector<64x128xf32>, vector<64x128xf32>, vector<64x128xf32>, vector<64x128xf32>, vector<64x128xf32> -> vector<64x640xf32>
    %get3A_33 = arith.constant 0 : index
    %get3A_34 = arith.constant 0 : index
    %get3A_35 = vector.load %arg5[%get3A_33, %get3A_34] : memref<640x128xf32, #tpu.memory_space<vmem>>, vector<640x128xf32>
    %dot_general3A_36 = arith.constant dense<0.000000e+00> : vector<64x128xf32>
    %dot_general3A_37 = tpu.matmul %concatenate3A, %get3A_35, %dot_general3A_36 {dimension_numbers = #tpu.dot_dimension_numbers<[1], [0], [0], [1], [0, 0, 1, 1], [], []>, transpose_lhs_hint = false} : vector<64x640xf32>, vector<640x128xf32>, vector<64x128xf32> -> vector<64x128xf32>
    %get3A_38 = arith.constant 0 : index
    %get3A_39 = arith.constant 0 : index
    %get3A_40 = vector.load %arg6[%get3A_38, %get3A_39] : memref<1x128xf32, #tpu.memory_space<vmem>>, vector<1x128xf32>
    %add3A_41 = vector.broadcast %get3A_40 : vector<1x128xf32> to vector<64x128xf32>
    %add3A_42 = arith.addf %dot_general3A_37, %add3A_41 : vector<64x128xf32>
    %max3A = arith.constant 0.000000e+00 : f32
    %max3A_43 = vector.broadcast %max3A : f32 to vector<64x128xf32>
    %max3A_44 = arith.maximumf %add3A_42, %max3A_43 : vector<64x128xf32>
    %get3A_45 = arith.constant 0 : index
    %get3A_46 = arith.constant 0 : index
    %get3A_47 = vector.load %arg7[%get3A_45, %get3A_46] : memref<128x128xf32, #tpu.memory_space<vmem>>, vector<128x128xf32>
    %dot_general3A_48 = arith.constant dense<0.000000e+00> : vector<64x128xf32>
    %dot_general3A_49 = tpu.matmul %max3A_44, %get3A_47, %dot_general3A_48 {dimension_numbers = #tpu.dot_dimension_numbers<[1], [0], [0], [1], [0, 0, 1, 1], [], []>, transpose_lhs_hint = false} : vector<64x128xf32>, vector<128x128xf32>, vector<64x128xf32> -> vector<64x128xf32>
    %get3A_50 = arith.constant 0 : index
    %get3A_51 = arith.constant 0 : index
    %get3A_52 = vector.load %arg8[%get3A_50, %get3A_51] : memref<1x128xf32, #tpu.memory_space<vmem>>, vector<1x128xf32>
    %add3A_53 = vector.broadcast %get3A_52 : vector<1x128xf32> to vector<64x128xf32>
    %add3A_54 = arith.addf %dot_general3A_49, %add3A_53 : vector<64x128xf32>
    %swap3A = arith.constant 0 : index
    %swap3A_55 = arith.constant 0 : index
    %swap3A_56 = vector.load %arg9[%swap3A, %swap3A_55] : memref<64x128xf32, #tpu.memory_space<vmem>>, vector<64x128xf32>
    tpu.vector_store %arg9[%swap3A, %swap3A_55], %add3A_54 {strides = array<i32>} : memref<64x128xf32, #tpu.memory_space<vmem>>, vector<64x128xf32>,
    return
  }
}

</mosaic_0001>

<sc_bundles>
// kernel: kernel.12.cloned.1.call-start
scs
__scs_entry_jumppad:
0x0: {  	(pc) =	sbr.rel $0x88, $3  }
0x1: {  	(tag) =	ssettag $0x0;
	lr =	simm.s32 $0x1  }
0x2: {  	[smem:$0x3F93] =	sst lr;
	_ =	strace $0xD0000000  }
0x3: {  	_ = 	snop  }
0x4: {  	_ = 	snop  }
0x5: {  	_ = 	snop  }
0x6: {  	_ = 	snop  }
0x7: {  	_ = 	snop  }
__scs_overlays_trampoline_lowered:
0x8: {  	[smem:$0x3FA2] =	sst s0  }
0x9: {  	[smem:$0x3FA3] =	sst s1  }
0xa: {  	[smem:$0x3FA4] =	sst s2  }
0xb: {  	[smem:$0x3FA5] =	sst s3  }
0xc: {  	[smem:$0x3FA6] =	sst s4  }
0xd: {  	[smem:$0x3FA7] =	sst s5  }
0xe: {  	[smem:$0x3FA8] =	sst s6  }
0xf: {  	[smem:$0x3FA9] =	sst s7  }
0x10: {  	[smem:$0x3FAA] =	sst s8  }
0x11: {  	[smem:$0x3FAB] =	sst s9;
	s0 =	simm.s32 @!p0 $0x0  }
0x12: {  	s1 =	sld [smem:$0x3F91];
	s0 =	simm.s32 @p0 $0x1  }
0x13: {  	[smem:$0x3FAC] =	sst s0;
	s0 =	simm.s32 @!p1 $0x0  }
0x14: {  	s2 =	sld [smem:$0x3F90];
	s0 =	simm.s32 @p1 $0x1  }
0x15: {  	[smem:$0x3FAD] =	sst s0;
	s0 =	simm.s32 @!p2 $0x0  }
0x16: {  	s3 =	sld [smem:$0x3FDB];
	s0 =	simm.s32 @p2 $0x1  }
0x17: {  	s4 =	simm.s32 $0x1BF5;
	[smem:$0x3FAF] =	sst s0  }
0x18: {  	s0 =	sld [smem:$0x3F92];
	_ =	swait.ge [sflag:s4], $0x0  }
0x19: {  	s7 =	sld [smem:$0x3F93]  }
0x1a: {  	s8 =	sadd.s32 $0xFFFFE003, lr  }
0x1b: {  	s9 =	sadd.s32 $0xFFFFFEF7, lr;
	s5 =	simm.s32 $0xFFFFFFFF;
	p2 =	slt.u32 s8, $0xFFFFF086  }
0x1c: {  	p1 =	slt.u32 s9, $0xF7A;
	s5 =	simm.s32 @!p2 $0x0  }
0x1d: {  	s5 =	simm.s32 @p1 $0x1;
	p0 =	seq.s32 s7, s2  }
0x1e: {  	s7 =	smul.u32 @!p0 $0xF7A, s2;
	p2 =	seq.s32 @!p0 s5, $0x0  }
0x1f: {  	s9 =	smul.u32 $0xF7A, s1;
	s8 =	simm.s32 @!p0 $0x1BF5;
	p2 =	por !p2, p0  }
0x20: {  	[sflag:s8] =	ssyncset.s32 @!p0 $0xFFFFF086;
	s6 =	sadd.s32 @!p0 s3, s7;
	s7 =	simm.s32 @!p0 $0x108  }
0x21: {  	s3 =	sadd.s32 s3, s9;
	s6 =	sadd.s32 @!p0 $0x88, s6;
	s7 =	simm.s32 @p2 $0x1082  }
0x22: {  	[simem:s7], [sflag:s8] =	dma.local @!p0 [hbm:s6], $0xF7A  }
0x23: {  	s9 =	sor.u32 $0xD0000000, s2;
	s6 =	simm.s32 $0x108;
	_ =	swait.ge @!p0 [sflag:s8], $0x0  }
0x24: {  	s3 =	sadd.s32 $0x88, s3;
	s6 =	simm.s32 @!p1 $0x1082;
	[sflag:s4] =	ssyncset.s32 $0xFFFFF086  }
0x25: {  	[simem:s6], [sflag:s4] =	dma.local [hbm:s3], $0xF7A  }
0x26: {  	[smem:$0x3F93] =	sst s1;
	(tag) =	ssettag s2;
	_ =	strace s9  }
0x27: {  	s1 =	sld [smem:$0x3FA3]  }
0x28: {  	s2 =	sld [smem:$0x3FA4]  }
0x29: {  	s4 =	sld [smem:$0x3FA6]  }
0x2a: {  	p0 =	seq.s32 s5, $0x0;
	s5 =	sld [smem:$0x3FA7]  }
0x2b: {  	s6 =	sld [smem:$0x3FA8]  }
0x2c: {  	s7 =	sld [smem:$0x3FA9]  }
0x2d: {  	s3 =	simm.s32 $0x108;
	s8 =	sld [smem:$0x3FAA]  }
0x2e: {  	s3 =	simm.s32 @!p0 $0x1082;
	s9 =	sld [smem:$0x3FAB]  }
0x2f: {  	lr =	sadd.s32 s0, s3;
	s0 =	sld [smem:$0x3FA2]  }
0x30: {  	s3 =	sld [smem:$0x3FA5]  }
0x31: {  	[smem:$0x3FAE] =	sst s10  }
0x32: {  	s10 =	sld [smem:$0x3FAC];
	_ =	sdelay $0x3  }
0x33: {  	p0 =	seq.s32 s10, $0x1;
	s10 =	sld [smem:$0x3FAE];
	_ =	sdelay $0x3  }
0x34: {  	[smem:$0x3FAE] =	sst s10  }
0x35: {  	s10 =	sld [smem:$0x3FAD];
	_ =	sdelay $0x3  }
0x36: {  	p1 =	seq.s32 s10, $0x1;
	s10 =	sld [smem:$0x3FAE];
	_ =	sdelay $0x3  }
0x37: {  	[smem:$0x3FAE] =	sst s10  }
0x38: {  	s10 =	sld [smem:$0x3FAF]  }
0x39: {  	_ = 	snop;
	(pc) =	sbr.ind lr, $3  }
0x3a: {  	_ = 	snop  }
0x3b: {  	_ = 	snop  }
0x3c: {  	p2 =	seq.s32 s10, $0x1;
	s10 =	sld [smem:$0x3FAE]  }
0x3d: {  	_ =	shalt  }
0x3e: {  	_ =	shalt  }
0x3f: {  	_ =	shalt  }
0x40: {  	_ =	shalt  }
0x41: {  	_ =	shalt  }
0x42: {  	_ =	shalt  }
0x43: {  	_ =	shalt  }
0x44: {  	_ =	shalt  }
0x45: {  	_ =	shalt  }
0x46: {  	_ =	shalt  }
0x47: {  	_ =	shalt  }
0x48: {  	_ =	shalt  }
0x49: {  	_ =	shalt  }
0x4a: {  	_ =	shalt  }
0x4b: {  	_ =	shalt  }
0x4c: {  	_ =	shalt  }
0x4d: {  	_ =	shalt  }
0x4e: {  	_ =	shalt  }
0x4f: {  	_ =	shalt  }
0x50: {  	_ =	shalt  }
0x51: {  	_ =	shalt  }
0x52: {  	_ =	shalt  }
0x53: {  	_ =	shalt  }
0x54: {  	_ =	shalt  }
0x55: {  	_ =	shalt  }
0x56: {  	_ =	shalt  }
0x57: {  	_ =	shalt  }
0x58: {  	_ =	shalt  }
0x59: {  	_ =	shalt  }
0x5a: {  	_ =	shalt  }
0x5b: {  	_ =	shalt  }
0x5c: {  	_ =	shalt  }
0x5d: {  	_ =	shalt  }
0x5e: {  	_ =	shalt  }
0x5f: {  	_ =	shalt  }
0x60: {  	_ =	shalt  }
0x61: {  	_ =	shalt  }
0x62: {  	_ =	shalt  }
0x63: {  	_ =	shalt  }
0x64: {  	_ =	shalt  }
0x65: {  	_ =	shalt  }
0x66: {  	_ =	shalt  }
0x67: {  	_ =	shalt  }
0x68: {  	_ =	shalt  }
0x69: {  	_ =	shalt  }
0x6a: {  	_ =	shalt  }
0x6b: {  	_ =	shalt  }
0x6c: {  	_ =	shalt  }
0x6d: {  	_ =	shalt  }
0x6e: {  	_ =	shalt  }
0x6f: {  	_ =	shalt  }
0x70: {  	_ =	shalt  }
0x71: {  	_ =	shalt  }
0x72: {  	_ =	shalt  }
0x73: {  	_ =	shalt  }
0x74: {  	_ =	shalt  }
0x75: {  	_ =	shalt  }
0x76: {  	_ =	shalt  }
0x77: {  	_ =	shalt  }
0x78: {  	_ =	shalt  }
0x79: {  	_ =	shalt  }
0x7a: {  	_ =	shalt  }
0x7b: {  	_ =	shalt  }
0x7c: {  	_ =	shalt  }
0x7d: {  	_ =	shalt  }
0x7e: {  	_ =	shalt  }
0x7f: {  	_ =	shalt  }
0x80: {  	_ =	shalt  }
0x81: {  	_ =	shalt  }
0x82: {  	_ =	shalt  }
0x83: {  	_ =	shalt  }
0x84: {  	_ =	shalt  }
0x85: {  	_ =	shalt  }
0x86: {  	_ =	shalt  }
0x87: {  	_ =	shalt  }
.Lfunc_end0:
.L_simem_size_0:
called_computation.1_lowered:
.L_overlay_start_0:
0x88: {  	s2 =	sld [smem:$0x3FD9]  }
0x89: {  	s3 =	sld [smem:$0x3FFE];
	_ =	sdelay $0x1  }
0x8a: {  	s1 =	srdreg.scid  }
0x8b: {  	s0 =	sand.u32 $0x1, s1  }
0x8c: {  	s16 =	sshll.u32 s0, $0xA;
	s2 =	sadd.s32 s3, s2  }
0x8d: {  	s2 =	sadd.s32 s2, s16  }
0x8e: {  	[smem:$0x3FBA] =	sst s2  }
0x8f: {  	_ = 	snop  }
0x90: {  	(tm) =	ssettm $0x1  }
0x91: {  	s17 =	sld [smem:$0x3FFB];
	_ =	sdelay $0x3  }
0x92: {  	_ =	strace s17  }
0x93: {  	s2 =	sld [smem:$0x3FFC];
	_ =	sdelay $0x3  }
0x94: {  	_ =	strace s2  }
0x95: {  	s2 =	sld [smem:$0x3FFD];
	_ =	sdelay $0x3  }
0x96: {  	_ =	strace s2  }
0x97: {  	_ =	strace $0x8FFFFFFF  }
0x98: {  	s18 =	sld [smem:$0x3FDB];
	_ =	sdelay $0x1  }
0x99: {  	s19 =	simm.s32 $_scs_section_size  }
0x9a: {  	s4 =	simm.s32 $_size__tile_overlayer_lowered;
	s5 =	simm.s32 $_tile_overlayer_lowered  }
0x9b: {  	s22 =	simm.s32 $0x1BFF;
	s21 =	sshll.u32 s5, $0x1;
	s2 =	sadd.s32 s19, s18  }
0x9c: {  	s6 =	simm.s32 $0x0;
	s20 =	sshll.u32 s4, $0x1;
	s4 =	sadd.s32 s21, s2  }
0x9d: {  	[timem:s6], [sflag:s22] =	dma.local [hbm:s4], s20  }
0x9e: {  	_ =	swait.ge [sflag:s22], s20  }
0x9f: {  	s3 =	ssub.s32 $0x0, s20;
	[sflag:s22] =	ssyncset.done $0x0  }
0xa0: {  	[sflag:s22] =	ssyncadd.s32 s3;
	_ =	sdelay $0x1  }
0xa1: {  	s23 =	simm.s32 $0x1B8B  }
0xa2: {  	_ =	swait.ge [sflag:s23], $0x1  }
0xa3: {  	[sflag:s23] =	ssyncset.done $0x0  }
0xa4: {  	s25 =	simm.s32 $0x1B8E;
	s24 =	sld [smem:$0x3FFE];
	[sflag:s23] =	ssyncadd.s32 $0xFFFFFFFF  }
0xa5: {  	s26 =	simm.s32 $execute0_lowered;
	[smem:$0x3FD2] =	sst s25  }
0xa6: {  	s4 =	sshll.u32 s26, $0x1;
	_ =	strace $0x80000049;
	[dreg:$0x1] =	wrdreg $0xFFFFFFFF  }
0xa7: {  	s28 =	simm.s32 $_size_execute0_lowered;
	s2 =	sadd.s32 s2, s4;
	[dreg:$0x0] =	wrdreg $0x0  }
0xa8: {  	s4 =	sshll.u32 s28, $0x1;
	[dreg:$0x2] =	wrdreg s2  }
0xa9: {  	[dreg:$0x3] =	wrdreg s4  }
0xaa: {  	[dreg:$0x4] =	wrdreg $0xC0  }
0xab: {  	_ =	task [dreg:s6], $0x5FFFF  }
0xac: {  	[dreg:$0x1] =	wrdreg $0xFFFFFFFF  }
0xad: {  	[dreg:$0x0] =	wrdreg $0x60  }
0xae: {  	[dreg:$0x2] =	wrdreg s24  }
0xaf: {  	[dreg:$0x3] =	wrdreg $0x82000  }
0xb0: {  	[dreg:$0x4] =	wrdreg $0x9  }
0xb1: {  	_ =	task.clear_ibuf [dreg:s6], $0x5FFFF;
	_ =	strace $0x90000049  }
0xb2: {  	s29 =	simm.s32 $0x9;
	_ =	strace $0x8000004B  }
0xb3: {  	_ =	swait.ge [sflag:s29], $0x1  }
0xb4: {  	[sflag:s29] =	ssyncadd.s32 $0xFFFFFFFF  }
0xb5: {  	_ =	strace $0x9000004B  }
0xb6: {  	_ =	sfence  }
0xb7: {  	s30 =	sld [smem:$0x0];
	_ =	sdelay $0x2  }
0xb8: {  	s31 =	sshll.u32 s1, $0xD;
	s1 =	sshrl.u32 s1, $0x2  }
0xb9: {  	s3 =	sand.u32 $0x4000, s31;
	s1 =	sadd.s32 s1, s30  }
0xba: {  	s0 =	sor.u32 s3, s0;
	s1 =	sshll.u32 s1, $0x11  }
0xbb: {  	s0 =	sor.u32 s1, s0  }
0xbc: {  	s0 =	sadd.s32 $0x8F2B, s0  }
0xbd: {  	[sflag:s0] =	ssyncadd.remote.s32 $0x1  }
0xbe: {  	_ =	sfence.sel $0xFFFF  }
0xbf: {  	[dreg:$0x0] =	wrdreg $0xFFFFFFFF;
	(pc) =	sbr.abs _section_cstart, $3  }
0xc0: {  	[dreg:$0x1] =	wrdreg $0xFFFFFFFF  }
0xc1: {  	_ =	task.clear_ibuf [dreg:s6], $0x2FFFF;
	_ =	strace $0x9FFFFFFF  }
0xc2: {  	(tm) =	ssettm $0x7FFFFFFF  }
0xc3: {  	_ =	shalt  }
tec
execute0_lowered:
.L_overlay_start_1:
0x0: {  	(tag) =	ssettag $0x1  }
0x1: {  	s8 =	rddreg [dreg:$0x0];
	s0 =	srdreg.scid  }
0x2: {  	s2 =	rddreg [dreg:$0x1];
	s1 =	stileid.u32  }
0x3: {  	s3 =	simm.s32 $0x0;
	s12 =	simm.s32 $0x94;
	s17 =	simm.s32 $0x180  }
0x4: {  	s18 =	simm.s32 $0x1;
	s19 =	simm.s32 $0x200;
	s20 =	simm.s32 $0x4200  }
0x5: {  	s21 =	simm.s32 $0x2;
	s22 =	simm.s32 $0x3;
	s23 =	simm.s32 $0x4  }
0x6: {  	s24 =	simm.s32 $0x5;
	s9 =	sand.u32 $0x1, s0;
	s0 =	rddreg [dreg:$0x2]  }
0x7: {  	s25 =	simm.s32 $0x0;
	s6 =	smul.u32 $0x14000, s1;
	[smem:$0x7FF] =	sst s3  }
0x8: {  	s4 =	sadd.s32 $0x69800, s8;
	s11 =	smul.u32 $0x50000, s1;
	s14 =	sshll.u32 s1, $0x6  }
0x9: {  	s5 =	smul.u32 $0x140000, s9;
	_ =	strace $0x8000004A;
	s30 =	ssub.s32 $0x2, s9  }
0xa: {  	p0 =	seq.s32 s9, $0x0;
	s9 =	smul.u32 $0x940, s9;
	s13 =	sshrl.u32 s30, $0x1  }
0xb: {  	s12 =	simm.s32 @!p0 $0xC;
	s11 =	sshrl.u32 s11, $0x2;
	s7 =	sadd.s32 s6, s5  }
0xc: {  	s5 =	sadd.s32 $0x2600, s8;
	s6 =	sadd.s32 $0xC600, s8;
	s15 =	smul.u32 s1, s12  }
0xd: {  	s13 =	ssub.s32 s30, s13;
	s16 =	sadd.s32 s11, s2;
	s10 =	sshrl.u32 s7, $0x3  }
0xe: {  	s7 =	sadd.s32 $0x16600, s8;
	s11 =	smax.u32 s13, $0x1;
	s13 =	sshrl.u32 s16, $0x3  }
0xf: {  	s16 =	simm.s32 $0x80;
	s10 =	sadd.s32 s10, s8;
	s8 =	sor.u32 $0x1C06, s14  }
0x10: {  	s31 =	sadd.s32 s9, s15;
	s9 =	sshrl.u32 s12, $0x1;
	s14 =	simm.s32 $0x6  }
0x11: {  	s15 =	simm.s32 $0x100;
	s10 =	sadd.s32 $0x91800, s10;
	s12 =	sshll.u32 s31, $0x4  }
.LBB2_1:
0x12: {  	[spmem:s13], [sflag:s8] =	dma.local [hbm:s7], $0x2800  }
0x13: {  	p1 =	sne.s32 s9, $0x1  }
.Ltmp0:
0x14: {  	_ =	swait.ge [sflag:s14], $0x2800;
	(pc) =	sbr.rel @!p1 .LBB2_4-.Ltmp0, $4  }
0x15: {  	[sflag:s14] =	ssyncset.done $0x0  }
0x16: {  	[sflag:s14] =	ssyncadd.s32 $0xFFFFD800  }
0x17: {  	[bflag:$0x0] =	sbarrier.arrive $0xFFFF  }
0x18: {  	s28 =	sadd.s32 $0xFFFFFFFF, s9;
	p0 =	por $0x0, $0x0;
	s26 =	smov.u32 s12  }
0x19: {  	s26 =	sadd.s32 s12, s5  }
0x1a: {  	[tilespmem:s3], [sflag:$0x1] =	stream.linear.gather [hbm4b:s26+s3], $0x80, $0x38;
	[tilespmem:$0x1C200] =	vst v63  }
0x1b: {  	s31 =	sadd.s32 s12, s6;
	s29 =	sor.u32 $0x10, s12  }
0x1c: {  	[tilespmem:s15], [sflag:$0x1] =	stream.linear.gather [hbm4b:s31+s3], $0x80, $0x38;
	[tilespmem:$0x1C200] =	vst v63  }
0x1d: {  	s30 =	sadd.s32 s5, s29  }
0x1e: {  	[tilespmem:s16], [sflag:$0x1] =	stream.linear.gather [hbm4b:s30+s3], $0x80, $0x38;
	[tilespmem:$0x1C200] =	vst v63  }
0x1f: {  	s31 =	sadd.s32 s6, s29  }
0x20: {  	[tilespmem:s17], [sflag:$0x1] =	stream.linear.gather [hbm4b:s31+s3], $0x80, $0x38;
	[tilespmem:$0x1C200] =	vst v63  }
0x21: {  	_ =	swait.ge [sflag:s18], $0x80  }
0x22: {  	[sflag:s18] =	ssyncset.done $0x0  }
0x23: {  	[sflag:s18] =	ssyncadd.s32 $0xFFFFFF80  }
0x24: {  	_ =	swait.ge [sflag:s18], $0x80  }
0x25: {  	[sflag:s18] =	ssyncset.done $0x0  }
0x26: {  	[sflag:s18] =	ssyncadd.s32 $0xFFFFFF80  }
0x27: {  	_ =	swait.ge [sflag:s18], $0x80  }
0x28: {  	[sflag:s18] =	ssyncset.done $0x0  }
0x29: {  	[sflag:s18] =	ssyncadd.s32 $0xFFFFFF80  }
0x2a: {  	_ =	swait.ge [sflag:s18], $0x80  }
0x2b: {  	[sflag:s18] =	ssyncset.done $0x0  }
0x2c: {  	[sflag:s18] =	ssyncadd.s32 $0xFFFFFF80  }
0x2d: {  	[tilespmem:s19], [sflag:$0x2] =	stream.indirect.gather [hbm4b:s4+s16], $0x80, s3, s16, $0xb8;
	[tilespmem:$0x1C200] =	vst v63  }
0x2e: {  	_ = 	snop  }
0x2f: {  	[tilespmem:s20], [sflag:$0x3] =	stream.indirect.gather [hbm4b:s4+s16], $0x80, s16, s16, $0xb8;
	[tilespmem:$0x1C200] =	vst v63  }
0x30: {  	_ =	swait.ge [sflag:s21], $0x4000  }
0x31: {  	[sflag:s21] =	ssyncset.done $0x0  }
0x32: {  	[sflag:s21] =	ssyncadd.s32 $0xFFFFC000  }
0x33: {  	_ =	swait.ge [sflag:s22], $0x4000  }
0x34: {  	[sflag:s22] =	ssyncset.done $0x0  }
0x35: {  	[sflag:s22] =	ssyncadd.s32 $0xFFFFC000  }
0x36: {  	[spmem:s2] =	stream.indirect.scatter.add.f32 [tilespmem:s19], [sflag:$0x4], $0x80, s15, s16, $0xb8;
	[tilespmem:$0x1C200] =	vst v63  }
0x37: {  	p1 =	sne.s32 s28, $0x1  }
0x38: {  	[spmem:s2] =	stream.indirect.scatter.add.f32 [tilespmem:s20], [sflag:$0x5], $0x80, s17, s16, $0xb8;
	[tilespmem:$0x1C200] =	vst v63  }
.Ltmp1:
0x39: {  	_ =	swait.ge [sflag:s23], $0x4000;
	(pc) =	sbr.rel @!p1 .LBB2_4-.Ltmp1, $4  }
0x3a: {  	[sflag:s23] =	ssyncset.done $0x0  }
0x3b: {  	[sflag:s23] =	ssyncadd.s32 $0xFFFFC000  }
0x3c: {  	s28 =	sadd.s32 $0xFFFFFFFF, s28;
	_ =	swait.ge [sflag:s24], $0x4000  }
0x3d: {  	p0 =	por $0x1, $0x1;
	s26 =	sadd.s32 $0x20, s12;
	[sflag:s24] =	ssyncset.done $0x0  }
.LBB2_3:
0x3e: {  	p1 =	sne.s32 s28, $0x1;
	s29 =	sadd.s32 s26, s5;
	[sflag:s24] =	ssyncadd.s32 $0xFFFFC000  }
0x3f: {  	[tilespmem:s3], [sflag:$0x1] =	stream.linear.gather [hbm4b:s29+s3], $0x80, $0x38;
	[tilespmem:$0x1C200] =	vst v63  }
0x40: {  	s28 =	sadd.s32 $0xFFFFFFFF, s28;
	s30 =	sor.u32 $0x10, s26;
	s29 =	sadd.s32 s26, s6  }
0x41: {  	[tilespmem:s15], [sflag:$0x1] =	stream.linear.gather [hbm4b:s29+s3], $0x80, $0x38;
	[tilespmem:$0x1C200] =	vst v63  }
0x42: {  	s29 =	sadd.s32 s5, s30  }
0x43: {  	[tilespmem:s16], [sflag:$0x1] =	stream.linear.gather [hbm4b:s29+s3], $0x80, $0x38;
	[tilespmem:$0x1C200] =	vst v63  }
0x44: {  	s29 =	sadd.s32 s6, s30  }
0x45: {  	[tilespmem:s17], [sflag:$0x1] =	stream.linear.gather [hbm4b:s29+s3], $0x80, $0x38;
	[tilespmem:$0x1C200] =	vst v63  }
0x46: {  	_ =	swait.ge [sflag:s18], $0x80  }
0x47: {  	[sflag:s18] =	ssyncset.done $0x0  }
0x48: {  	[sflag:s18] =	ssyncadd.s32 $0xFFFFFF80  }
0x49: {  	_ =	swait.ge [sflag:s18], $0x80  }
0x4a: {  	[sflag:s18] =	ssyncset.done $0x0  }
0x4b: {  	[sflag:s18] =	ssyncadd.s32 $0xFFFFFF80  }
0x4c: {  	_ =	swait.ge [sflag:s18], $0x80  }
0x4d: {  	[sflag:s18] =	ssyncset.done $0x0  }
0x4e: {  	[sflag:s18] =	ssyncadd.s32 $0xFFFFFF80  }
0x4f: {  	_ =	swait.ge [sflag:s18], $0x80  }
0x50: {  	[sflag:s18] =	ssyncset.done $0x0  }
0x51: {  	[sflag:s18] =	ssyncadd.s32 $0xFFFFFF80  }
0x52: {  	[tilespmem:s19], [sflag:$0x2] =	stream.indirect.gather [hbm4b:s4+s16], $0x80, s3, s16, $0xb8;
	[tilespmem:$0x1C200] =	vst v63  }
0x53: {  	_ = 	snop  }
0x54: {  	[tilespmem:s20], [sflag:$0x3] =	stream.indirect.gather [hbm4b:s4+s16], $0x80, s16, s16, $0xb8;
	[tilespmem:$0x1C200] =	vst v63  }
0x55: {  	_ =	swait.ge [sflag:s21], $0x4000  }
0x56: {  	[sflag:s21] =	ssyncset.done $0x0  }
0x57: {  	[sflag:s21] =	ssyncadd.s32 $0xFFFFC000  }
0x58: {  	_ =	swait.ge [sflag:s22], $0x4000  }
0x59: {  	[sflag:s22] =	ssyncset.done $0x0  }
0x5a: {  	[sflag:s22] =	ssyncadd.s32 $0xFFFFC000  }
0x5b: {  	[spmem:s2] =	stream.indirect.scatter.add.f32 [tilespmem:s19], [sflag:$0x4], $0x80, s15, s16, $0xb8;
	[tilespmem:$0x1C200] =	vst v63  }
0x5c: {  	_ = 	snop  }
0x5d: {  	[spmem:s2] =	stream.indirect.scatter.add.f32 [tilespmem:s20], [sflag:$0x5], $0x80, s17, s16, $0xb8;
	[tilespmem:$0x1C200] =	vst v63  }
.Ltmp2:
0x5e: {  	_ =	swait.ge [sflag:s23], $0x4000;
	(pc) =	sbr.rel @p1 .LBB2_3-.Ltmp2, $4  }
0x5f: {  	[sflag:s23] =	ssyncset.done $0x0  }
0x60: {  	[sflag:s23] =	ssyncadd.s32 $0xFFFFC000  }
0x61: {  	_ =	swait.ge [sflag:s24], $0x4000  }
0x62: {  	s26 =	sadd.s32 $0x20, s26;
	[sflag:s24] =	ssyncset.done $0x0  }
.LBB2_4:
0x63: {  	s28 =	sadd.s32 s26, s5;
	[sflag:s24] =	ssyncadd.s32 @p0 $0xFFFFC000  }
0x64: {  	[tilespmem:s3], [sflag:$0x1] =	stream.linear.gather [hbm4b:s28+s3], $0x80, $0x38;
	[tilespmem:$0x1C200] =	vst v63  }
0x65: {  	s29 =	sadd.s32 s26, s6;
	s30 =	sor.u32 $0x10, s26  }
0x66: {  	[tilespmem:s15], [sflag:$0x1] =	stream.linear.gather [hbm4b:s29+s3], $0x80, $0x38;
	[tilespmem:$0x1C200] =	vst v63  }
0x67: {  	s31 =	sadd.s32 s5, s30  }
0x68: {  	[tilespmem:s16], [sflag:$0x1] =	stream.linear.gather [hbm4b:s31+s3], $0x80, $0x38;
	[tilespmem:$0x1C200] =	vst v63  }
0x69: {  	s26 =	sadd.s32 s6, s30  }
0x6a: {  	[tilespmem:s17], [sflag:$0x1] =	stream.linear.gather [hbm4b:s26+s3], $0x80, $0x38;
	[tilespmem:$0x1C200] =	vst v63  }
0x6b: {  	_ =	swait.ge [sflag:s18], $0x80  }
0x6c: {  	[sflag:s18] =	ssyncset.done $0x0  }
0x6d: {  	[sflag:s18] =	ssyncadd.s32 $0xFFFFFF80  }
0x6e: {  	_ =	swait.ge [sflag:s18], $0x80  }
0x6f: {  	[sflag:s18] =	ssyncset.done $0x0  }
0x70: {  	[sflag:s18] =	ssyncadd.s32 $0xFFFFFF80  }
0x71: {  	_ =	swait.ge [sflag:s18], $0x80  }
0x72: {  	[sflag:s18] =	ssyncset.done $0x0  }
0x73: {  	[sflag:s18] =	ssyncadd.s32 $0xFFFFFF80  }
0x74: {  	_ =	swait.ge [sflag:s18], $0x80  }
0x75: {  	[sflag:s18] =	ssyncset.done $0x0  }
0x76: {  	[sflag:s18] =	ssyncadd.s32 $0xFFFFFF80  }
0x77: {  	[tilespmem:s19], [sflag:$0x2] =	stream.indirect.gather [hbm4b:s4+s16], $0x80, s3, s16, $0xb8;
	[tilespmem:$0x1C200] =	vst v63  }
0x78: {  	_ = 	snop  }
0x79: {  	[tilespmem:s20], [sflag:$0x3] =	stream.indirect.gather [hbm4b:s4+s16], $0x80, s16, s16, $0xb8;
	[tilespmem:$0x1C200] =	vst v63  }
0x7a: {  	_ =	swait.ge [sflag:s21], $0x4000  }
0x7b: {  	[sflag:s21] =	ssyncset.done $0x0  }
0x7c: {  	[sflag:s21] =	ssyncadd.s32 $0xFFFFC000  }
0x7d: {  	_ =	swait.ge [sflag:s22], $0x4000  }
0x7e: {  	[sflag:s22] =	ssyncset.done $0x0  }
0x7f: {  	[sflag:s22] =	ssyncadd.s32 $0xFFFFC000  }
0x80: {  	[spmem:s2] =	stream.indirect.scatter.add.f32 [tilespmem:s19], [sflag:$0x4], $0x80, s15, s16, $0xb8;
	[tilespmem:$0x1C200] =	vst v63  }
0x81: {  	_ = 	snop  }
0x82: {  	[spmem:s2] =	stream.indirect.scatter.add.f32 [tilespmem:s20], [sflag:$0x5], $0x80, s17, s16, $0xb8;
	[tilespmem:$0x1C200] =	vst v63  }
0x83: {  	_ =	swait.ge [sflag:s23], $0x4000  }
0x84: {  	[sflag:s23] =	ssyncset.done $0x0  }
0x85: {  	[sflag:s23] =	ssyncadd.s32 $0xFFFFC000  }
0x86: {  	_ =	swait.ge [sflag:s24], $0x4000  }
0x87: {  	s25 =	sadd.s32 $0x1, s25;
	[sflag:s24] =	ssyncset.done $0x0  }
0x88: {  	p0 =	sne.s32 s25, s11;
	[sflag:s24] =	ssyncadd.s32 $0xFFFFC000  }
.Ltmp3:
0x89: {  	[bflag:$0x0] =	sbarrier.arrive $0xFFFF;
	(pc) =	sbr.rel @p0 .LBB2_1-.Ltmp3, $4  }
0x8a: {  	[hbm:s10], [sflag:s8] =	dma.local [spmem:s13], $0x2800  }
0x8b: {  	_ =	swait.ge [sflag:s14], $0x2800  }
0x8c: {  	[sflag:s14] =	ssyncset.done $0x0  }
0x8d: {  	[sflag:s14] =	ssyncadd.s32 $0xFFFFD800  }
0x8e: {  	_ =	sfence.sel $0x180000  }
0x8f: {  	[bflag:$0x0] =	sbarrier.arrive $0xFFFF  }
0x90: {  	p0 =	sne.s32 s1, $0x0;
	_ =	strace $0x9000004A  }
0x91: {  	s0 =	sadd.s32 @!p0 $0x100000, s0;
	[bflag:$0x2] =	sbarrier.arrive $0xFFFF  }
0x92: {  	[sflag:s0] =	ssyncadd.tile.s32 @!p0 $0x1;
	_ =	shalt  }
.Lfunc_end2:
_tile_overlayer_lowered:
.L_overlay_start_2:
0x93: {  	(tag) =	ssettag $0x2  }
0x94: {  	s0 =	rddreg [dreg:$0x0];
	s2 =	stileid.u32  }
0x95: {  	s1 =	rddreg [dreg:$0x1];
	p0 =	sne.s32 s2, $0x0  }
0x96: {  	s3 =	rddreg [dreg:$0x2];
	[bflag:$0x3] =	sbarrier.arrive $0xFFFF;
	s2 =	simm.s32 @!p0 $0x1C06  }
0x97: {  	[timem:s3], [sflag:s2] =	dma.local @!p0 [hbm:s0], s1  }
0x98: {  	s0 =	simm.s32 @!p0 $0x6  }
0x99: {  	_ =	swait.ge @!p0 [sflag:s0], s1  }
0x9a: {  	s1 =	ssub.s32 @!p0 $0x0, s1;
	[sflag:s0] =	ssyncset.done @!p0 $0x0  }
0x9b: {  	[sflag:s0] =	ssyncadd.s32 @!p0 s1  }
0x9c: {  	[bflag:$0x3] =	sbarrier.arrive $0xFFFF  }
0x9d: {  	_ =	shalt  }

// kernel: kernel.15.cloned.1.call-start
scs
__scs_entry_jumppad:
0x0: {  	(pc) =	sbr.rel $0x88, $3  }
0x1: {  	(tag) =	ssettag $0x0;
	lr =	simm.s32 $0x1  }
0x2: {  	[smem:$0x3F93] =	sst lr;
	_ =	strace $0xD0000000  }
0x3: {  	_ = 	snop  }
0x4: {  	_ = 	snop  }
0x5: {  	_ = 	snop  }
0x6: {  	_ = 	snop  }
0x7: {  	_ = 	snop  }
__scs_overlays_trampoline_lowered:
0x8: {  	[smem:$0x3FA2] =	sst s0  }
0x9: {  	[smem:$0x3FA3] =	sst s1  }
0xa: {  	[smem:$0x3FA4] =	sst s2  }
0xb: {  	[smem:$0x3FA5] =	sst s3  }
0xc: {  	[smem:$0x3FA6] =	sst s4  }
0xd: {  	[smem:$0x3FA7] =	sst s5  }
0xe: {  	[smem:$0x3FA8] =	sst s6  }
0xf: {  	[smem:$0x3FA9] =	sst s7  }
0x10: {  	[smem:$0x3FAA] =	sst s8  }
0x11: {  	[smem:$0x3FAB] =	sst s9;
	s0 =	simm.s32 @!p0 $0x0  }
0x12: {  	s1 =	sld [smem:$0x3F91];
	s0 =	simm.s32 @p0 $0x1  }
0x13: {  	[smem:$0x3FAC] =	sst s0;
	s0 =	simm.s32 @!p1 $0x0  }
0x14: {  	s2 =	sld [smem:$0x3F90];
	s0 =	simm.s32 @p1 $0x1  }
0x15: {  	[smem:$0x3FAD] =	sst s0;
	s0 =	simm.s32 @!p2 $0x0  }
0x16: {  	s3 =	sld [smem:$0x3FDB];
	s0 =	simm.s32 @p2 $0x1  }
0x17: {  	s4 =	simm.s32 $0x1BF5;
	[smem:$0x3FAF] =	sst s0  }
0x18: {  	s0 =	sld [smem:$0x3F92];
	_ =	swait.ge [sflag:s4], $0x0  }
0x19: {  	s7 =	sld [smem:$0x3F93]  }
0x1a: {  	s8 =	sadd.s32 $0xFFFFE003, lr  }
0x1b: {  	s9 =	sadd.s32 $0xFFFFFEF7, lr;
	s5 =	simm.s32 $0xFFFFFFFF;
	p2 =	slt.u32 s8, $0xFFFFF086  }
0x1c: {  	p1 =	slt.u32 s9, $0xF7A;
	s5 =	simm.s32 @!p2 $0x0  }
0x1d: {  	s5 =	simm.s32 @p1 $0x1;
	p0 =	seq.s32 s7, s2  }
0x1e: {  	s7 =	smul.u32 @!p0 $0xF7A, s2;
	p2 =	seq.s32 @!p0 s5, $0x0  }
0x1f: {  	s9 =	smul.u32 $0xF7A, s1;
	s8 =	simm.s32 @!p0 $0x1BF5;
	p2 =	por !p2, p0  }
0x20: {  	[sflag:s8] =	ssyncset.s32 @!p0 $0xFFFFF086;
	s6 =	sadd.s32 @!p0 s3, s7;
	s7 =	simm.s32 @!p0 $0x108  }
0x21: {  	s3 =	sadd.s32 s3, s9;
	s6 =	sadd.s32 @!p0 $0x88, s6;
	s7 =	simm.s32 @p2 $0x1082  }
0x22: {  	[simem:s7], [sflag:s8] =	dma.local @!p0 [hbm:s6], $0xF7A  }
0x23: {  	s9 =	sor.u32 $0xD0000000, s2;
	s6 =	simm.s32 $0x108;
	_ =	swait.ge @!p0 [sflag:s8], $0x0  }
0x24: {  	s3 =	sadd.s32 $0x88, s3;
	s6 =	simm.s32 @!p1 $0x1082;
	[sflag:s4] =	ssyncset.s32 $0xFFFFF086  }
0x25: {  	[simem:s6], [sflag:s4] =	dma.local [hbm:s3], $0xF7A  }
0x26: {  	[smem:$0x3F93] =	sst s1;
	(tag) =	ssettag s2;
	_ =	strace s9  }
0x27: {  	s1 =	sld [smem:$0x3FA3]  }
0x28: {  	s2 =	sld [smem:$0x3FA4]  }
0x29: {  	s4 =	sld [smem:$0x3FA6]  }
0x2a: {  	p0 =	seq.s32 s5, $0x0;
	s5 =	sld [smem:$0x3FA7]  }
0x2b: {  	s6 =	sld [smem:$0x3FA8]  }
0x2c: {  	s7 =	sld [smem:$0x3FA9]  }
0x2d: {  	s3 =	simm.s32 $0x108;
	s8 =	sld [smem:$0x3FAA]  }
0x2e: {  	s3 =	simm.s32 @!p0 $0x1082;
	s9 =	sld [smem:$0x3FAB]  }
0x2f: {  	lr =	sadd.s32 s0, s3;
	s0 =	sld [smem:$0x3FA2]  }
0x30: {  	s3 =	sld [smem:$0x3FA5]  }
0x31: {  	[smem:$0x3FAE] =	sst s10  }
0x32: {  	s10 =	sld [smem:$0x3FAC];
	_ =	sdelay $0x3  }
0x33: {  	p0 =	seq.s32 s10, $0x1;
	s10 =	sld [smem:$0x3FAE];
	_ =	sdelay $0x3  }
0x34: {  	[smem:$0x3FAE] =	sst s10  }
0x35: {  	s10 =	sld [smem:$0x3FAD];
	_ =	sdelay $0x3  }
0x36: {  	p1 =	seq.s32 s10, $0x1;
	s10 =	sld [smem:$0x3FAE];
	_ =	sdelay $0x3  }
0x37: {  	[smem:$0x3FAE] =	sst s10  }
0x38: {  	s10 =	sld [smem:$0x3FAF]  }
0x39: {  	_ = 	snop;
	(pc) =	sbr.ind lr, $3  }
0x3a: {  	_ = 	snop  }
0x3b: {  	_ = 	snop  }
0x3c: {  	p2 =	seq.s32 s10, $0x1;
	s10 =	sld [smem:$0x3FAE]  }
0x3d: {  	_ =	shalt  }
0x3e: {  	_ =	shalt  }
0x3f: {  	_ =	shalt  }
0x40: {  	_ =	shalt  }
0x41: {  	_ =	shalt  }
0x42: {  	_ =	shalt  }
0x43: {  	_ =	shalt  }
0x44: {  	_ =	shalt  }
0x45: {  	_ =	shalt  }
0x46: {  	_ =	shalt  }
0x47: {  	_ =	shalt  }
0x48: {  	_ =	shalt  }
0x49: {  	_ =	shalt  }
0x4a: {  	_ =	shalt  }
0x4b: {  	_ =	shalt  }
0x4c: {  	_ =	shalt  }
0x4d: {  	_ =	shalt  }
0x4e: {  	_ =	shalt  }
0x4f: {  	_ =	shalt  }
0x50: {  	_ =	shalt  }
0x51: {  	_ =	shalt  }
0x52: {  	_ =	shalt  }
0x53: {  	_ =	shalt  }
0x54: {  	_ =	shalt  }
0x55: {  	_ =	shalt  }
0x56: {  	_ =	shalt  }
0x57: {  	_ =	shalt  }
0x58: {  	_ =	shalt  }
0x59: {  	_ =	shalt  }
0x5a: {  	_ =	shalt  }
0x5b: {  	_ =	shalt  }
0x5c: {  	_ =	shalt  }
0x5d: {  	_ =	shalt  }
0x5e: {  	_ =	shalt  }
0x5f: {  	_ =	shalt  }
0x60: {  	_ =	shalt  }
0x61: {  	_ =	shalt  }
0x62: {  	_ =	shalt  }
0x63: {  	_ =	shalt  }
0x64: {  	_ =	shalt  }
0x65: {  	_ =	shalt  }
0x66: {  	_ =	shalt  }
0x67: {  	_ =	shalt  }
0x68: {  	_ =	shalt  }
0x69: {  	_ =	shalt  }
0x6a: {  	_ =	shalt  }
0x6b: {  	_ =	shalt  }
0x6c: {  	_ =	shalt  }
0x6d: {  	_ =	shalt  }
0x6e: {  	_ =	shalt  }
0x6f: {  	_ =	shalt  }
0x70: {  	_ =	shalt  }
0x71: {  	_ =	shalt  }
0x72: {  	_ =	shalt  }
0x73: {  	_ =	shalt  }
0x74: {  	_ =	shalt  }
0x75: {  	_ =	shalt  }
0x76: {  	_ =	shalt  }
0x77: {  	_ =	shalt  }
0x78: {  	_ =	shalt  }
0x79: {  	_ =	shalt  }
0x7a: {  	_ =	shalt  }
0x7b: {  	_ =	shalt  }
0x7c: {  	_ =	shalt  }
0x7d: {  	_ =	shalt  }
0x7e: {  	_ =	shalt  }
0x7f: {  	_ =	shalt  }
0x80: {  	_ =	shalt  }
0x81: {  	_ =	shalt  }
0x82: {  	_ =	shalt  }
0x83: {  	_ =	shalt  }
0x84: {  	_ =	shalt  }
0x85: {  	_ =	shalt  }
0x86: {  	_ =	shalt  }
0x87: {  	_ =	shalt  }
.Lfunc_end0:
.L_simem_size_0:
called_computation.2_lowered:
.L_overlay_start_0:
0x88: {  	s2 =	sld [smem:$0x3FD9]  }
0x89: {  	s3 =	sld [smem:$0x3FFE];
	_ =	sdelay $0x1  }
0x8a: {  	s1 =	srdreg.scid  }
0x8b: {  	s0 =	sand.u32 $0x1, s1  }
0x8c: {  	s16 =	sshll.u32 s0, $0xA;
	s2 =	sadd.s32 s3, s2  }
0x8d: {  	s2 =	sadd.s32 s2, s16  }
0x8e: {  	[smem:$0x3FBA] =	sst s2  }
0x8f: {  	_ = 	snop  }
0x90: {  	(tm) =	ssettm $0x1  }
0x91: {  	s17 =	sld [smem:$0x3FFB];
	_ =	sdelay $0x3  }
0x92: {  	_ =	strace s17  }
0x93: {  	s2 =	sld [smem:$0x3FFC];
	_ =	sdelay $0x3  }
0x94: {  	_ =	strace s2  }
0x95: {  	s2 =	sld [smem:$0x3FFD];
	_ =	sdelay $0x3  }
0x96: {  	_ =	strace s2  }
0x97: {  	_ =	strace $0x8FFFFFFF  }
0x98: {  	s18 =	sld [smem:$0x3FDB];
	_ =	sdelay $0x1  }
0x99: {  	s19 =	simm.s32 $_scs_section_size  }
0x9a: {  	s4 =	simm.s32 $_size__tile_overlayer_lowered;
	s5 =	simm.s32 $_tile_overlayer_lowered  }
0x9b: {  	s22 =	simm.s32 $0x1BFF;
	s21 =	sshll.u32 s5, $0x1;
	s2 =	sadd.s32 s19, s18  }
0x9c: {  	s6 =	simm.s32 $0x0;
	s20 =	sshll.u32 s4, $0x1;
	s4 =	sadd.s32 s21, s2  }
0x9d: {  	[timem:s6], [sflag:s22] =	dma.local [hbm:s4], s20  }
0x9e: {  	_ =	swait.ge [sflag:s22], s20  }
0x9f: {  	s3 =	ssub.s32 $0x0, s20;
	[sflag:s22] =	ssyncset.done $0x0  }
0xa0: {  	[sflag:s22] =	ssyncadd.s32 s3;
	_ =	sdelay $0x1  }
0xa1: {  	s23 =	simm.s32 $0x1B8B  }
0xa2: {  	_ =	swait.ge [sflag:s23], $0x1  }
0xa3: {  	[sflag:s23] =	ssyncset.done $0x0  }
0xa4: {  	s25 =	simm.s32 $0x1B8E;
	s24 =	sld [smem:$0x3FFE];
	[sflag:s23] =	ssyncadd.s32 $0xFFFFFFFF  }
0xa5: {  	s26 =	simm.s32 $execute0_lowered;
	[smem:$0x3FD2] =	sst s25  }
0xa6: {  	s4 =	sshll.u32 s26, $0x1;
	_ =	strace $0x8000004C;
	[dreg:$0x1] =	wrdreg $0xFFFFFFFF  }
0xa7: {  	s28 =	simm.s32 $_size_execute0_lowered;
	s2 =	sadd.s32 s2, s4;
	[dreg:$0x0] =	wrdreg $0x0  }
0xa8: {  	s4 =	sshll.u32 s28, $0x1;
	[dreg:$0x2] =	wrdreg s2  }
0xa9: {  	[dreg:$0x3] =	wrdreg s4  }
0xaa: {  	[dreg:$0x4] =	wrdreg $0xC0  }
0xab: {  	_ =	task [dreg:s6], $0x5FFFF  }
0xac: {  	[dreg:$0x1] =	wrdreg $0xFFFFFFFF  }
0xad: {  	[dreg:$0x0] =	wrdreg $0x60  }
0xae: {  	[dreg:$0x2] =	wrdreg s24  }
0xaf: {  	[dreg:$0x3] =	wrdreg $0x82000  }
0xb0: {  	[dreg:$0x4] =	wrdreg $0x9  }
0xb1: {  	_ =	task.clear_ibuf [dreg:s6], $0x5FFFF;
	_ =	strace $0x9000004C  }
0xb2: {  	s29 =	simm.s32 $0x9;
	_ =	strace $0x8000004E  }
0xb3: {  	_ =	swait.ge [sflag:s29], $0x1  }
0xb4: {  	[sflag:s29] =	ssyncadd.s32 $0xFFFFFFFF  }
0xb5: {  	_ =	strace $0x9000004E  }
0xb6: {  	_ =	sfence  }
0xb7: {  	s30 =	sld [smem:$0x0];
	_ =	sdelay $0x2  }
0xb8: {  	s31 =	sshll.u32 s1, $0xD;
	s1 =	sshrl.u32 s1, $0x2  }
0xb9: {  	s3 =	sand.u32 $0x4000, s31;
	s1 =	sadd.s32 s1, s30  }
0xba: {  	s0 =	sor.u32 s3, s0;
	s1 =	sshll.u32 s1, $0x11  }
0xbb: {  	s0 =	sor.u32 s1, s0  }
0xbc: {  	s0 =	sadd.s32 $0x8F2B, s0  }
0xbd: {  	[sflag:s0] =	ssyncadd.remote.s32 $0x1  }
0xbe: {  	_ =	sfence.sel $0xFFFF  }
0xbf: {  	[dreg:$0x0] =	wrdreg $0xFFFFFFFF;
	(pc) =	sbr.abs _section_cstart, $3  }
0xc0: {  	[dreg:$0x1] =	wrdreg $0xFFFFFFFF  }
0xc1: {  	_ =	task.clear_ibuf [dreg:s6], $0x2FFFF;
	_ =	strace $0x9FFFFFFF  }
0xc2: {  	(tm) =	ssettm $0x7FFFFFFF  }
0xc3: {  	_ =	shalt  }
tec
execute0_lowered:
.L_overlay_start_1:
0x0: {  	(tag) =	ssettag $0x1  }
0x1: {  	s8 =	rddreg [dreg:$0x0];
	s0 =	srdreg.scid  }
0x2: {  	s2 =	rddreg [dreg:$0x1];
	s1 =	stileid.u32  }
0x3: {  	s3 =	simm.s32 $0x0;
	s12 =	simm.s32 $0x94;
	s17 =	simm.s32 $0x180  }
0x4: {  	s18 =	simm.s32 $0x1;
	s19 =	simm.s32 $0x200;
	s20 =	simm.s32 $0x4200  }
0x5: {  	s21 =	simm.s32 $0x2;
	s22 =	simm.s32 $0x3;
	s23 =	simm.s32 $0x4  }
0x6: {  	s24 =	simm.s32 $0x5;
	s9 =	sand.u32 $0x1, s0;
	s0 =	rddreg [dreg:$0x2]  }
0x7: {  	s25 =	simm.s32 $0x0;
	s6 =	smul.u32 $0x14000, s1;
	[smem:$0x7FF] =	sst s3  }
0x8: {  	s4 =	sadd.s32 $0x69800, s8;
	s11 =	smul.u32 $0x50000, s1;
	s14 =	sshll.u32 s1, $0x6  }
0x9: {  	s5 =	smul.u32 $0x140000, s9;
	_ =	strace $0x8000004D;
	s30 =	ssub.s32 $0x2, s9  }
0xa: {  	p0 =	seq.s32 s9, $0x0;
	s9 =	smul.u32 $0x940, s9;
	s13 =	sshrl.u32 s30, $0x1  }
0xb: {  	s12 =	simm.s32 @!p0 $0xC;
	s11 =	sshrl.u32 s11, $0x2;
	s7 =	sadd.s32 s6, s5  }
0xc: {  	s5 =	sadd.s32 $0x2600, s8;
	s6 =	sadd.s32 $0xC600, s8;
	s15 =	smul.u32 s1, s12  }
0xd: {  	s13 =	ssub.s32 s30, s13;
	s16 =	sadd.s32 s11, s2;
	s10 =	sshrl.u32 s7, $0x3  }
0xe: {  	s7 =	sadd.s32 $0x16600, s8;
	s11 =	smax.u32 s13, $0x1;
	s13 =	sshrl.u32 s16, $0x3  }
0xf: {  	s16 =	simm.s32 $0x80;
	s10 =	sadd.s32 s10, s8;
	s8 =	sor.u32 $0x1C06, s14  }
0x10: {  	s31 =	sadd.s32 s9, s15;
	s9 =	sshrl.u32 s12, $0x1;
	s14 =	simm.s32 $0x6  }
0x11: {  	s15 =	simm.s32 $0x100;
	s10 =	sadd.s32 $0x91800, s10;
	s12 =	sshll.u32 s31, $0x4  }
.LBB2_1:
0x12: {  	[spmem:s13], [sflag:s8] =	dma.local [hbm:s7], $0x2800  }
0x13: {  	p1 =	sne.s32 s9, $0x1  }
.Ltmp0:
0x14: {  	_ =	swait.ge [sflag:s14], $0x2800;
	(pc) =	sbr.rel @!p1 .LBB2_4-.Ltmp0, $4  }
0x15: {  	[sflag:s14] =	ssyncset.done $0x0  }
0x16: {  	[sflag:s14] =	ssyncadd.s32 $0xFFFFD800  }
0x17: {  	[bflag:$0x0] =	sbarrier.arrive $0xFFFF  }
0x18: {  	s28 =	sadd.s32 $0xFFFFFFFF, s9;
	p0 =	por $0x0, $0x0;
	s26 =	smov.u32 s12  }
0x19: {  	s26 =	sadd.s32 s12, s5  }
0x1a: {  	[tilespmem:s3], [sflag:$0x1] =	stream.linear.gather [hbm4b:s26+s3], $0x80, $0x38;
	[tilespmem:$0x1C200] =	vst v63  }
0x1b: {  	s31 =	sadd.s32 s12, s6;
	s29 =	sor.u32 $0x10, s12  }
0x1c: {  	[tilespmem:s15], [sflag:$0x1] =	stream.linear.gather [hbm4b:s31+s3], $0x80, $0x38;
	[tilespmem:$0x1C200] =	vst v63  }
0x1d: {  	s30 =	sadd.s32 s5, s29  }
0x1e: {  	[tilespmem:s16], [sflag:$0x1] =	stream.linear.gather [hbm4b:s30+s3], $0x80, $0x38;
	[tilespmem:$0x1C200] =	vst v63  }
0x1f: {  	s31 =	sadd.s32 s6, s29  }
0x20: {  	[tilespmem:s17], [sflag:$0x1] =	stream.linear.gather [hbm4b:s31+s3], $0x80, $0x38;
	[tilespmem:$0x1C200] =	vst v63  }
0x21: {  	_ =	swait.ge [sflag:s18], $0x80  }
0x22: {  	[sflag:s18] =	ssyncset.done $0x0  }
0x23: {  	[sflag:s18] =	ssyncadd.s32 $0xFFFFFF80  }
0x24: {  	_ =	swait.ge [sflag:s18], $0x80  }
0x25: {  	[sflag:s18] =	ssyncset.done $0x0  }
0x26: {  	[sflag:s18] =	ssyncadd.s32 $0xFFFFFF80  }
0x27: {  	_ =	swait.ge [sflag:s18], $0x80  }
0x28: {  	[sflag:s18] =	ssyncset.done $0x0  }
0x29: {  	[sflag:s18] =	ssyncadd.s32 $0xFFFFFF80  }
0x2a: {  	_ =	swait.ge [sflag:s18], $0x80  }
0x2b: {  	[sflag:s18] =	ssyncset.done $0x0  }
0x2c: {  	[sflag:s18] =	ssyncadd.s32 $0xFFFFFF80  }
0x2d: {  	[tilespmem:s19], [sflag:$0x2] =	stream.indirect.gather [hbm4b:s4+s16], $0x80, s3, s16, $0xb8;
	[tilespmem:$0x1C200] =	vst v63  }
0x2e: {  	_ = 	snop  }
0x2f: {  	[tilespmem:s20], [sflag:$0x3] =	stream.indirect.gather [hbm4b:s4+s16], $0x80, s16, s16, $0xb8;
	[tilespmem:$0x1C200] =	vst v63  }
0x30: {  	_ =	swait.ge [sflag:s21], $0x4000  }
0x31: {  	[sflag:s21] =	ssyncset.done $0x0  }
0x32: {  	[sflag:s21] =	ssyncadd.s32 $0xFFFFC000  }
0x33: {  	_ =	swait.ge [sflag:s22], $0x4000  }
0x34: {  	[sflag:s22] =	ssyncset.done $0x0  }
0x35: {  	[sflag:s22] =	ssyncadd.s32 $0xFFFFC000  }
0x36: {  	[spmem:s2] =	stream.indirect.scatter.add.f32 [tilespmem:s19], [sflag:$0x4], $0x80, s15, s16, $0xb8;
	[tilespmem:$0x1C200] =	vst v63  }
0x37: {  	p1 =	sne.s32 s28, $0x1  }
0x38: {  	[spmem:s2] =	stream.indirect.scatter.add.f32 [tilespmem:s20], [sflag:$0x5], $0x80, s17, s16, $0xb8;
	[tilespmem:$0x1C200] =	vst v63  }
.Ltmp1:
0x39: {  	_ =	swait.ge [sflag:s23], $0x4000;
	(pc) =	sbr.rel @!p1 .LBB2_4-.Ltmp1, $4  }
0x3a: {  	[sflag:s23] =	ssyncset.done $0x0  }
0x3b: {  	[sflag:s23] =	ssyncadd.s32 $0xFFFFC000  }
0x3c: {  	s28 =	sadd.s32 $0xFFFFFFFF, s28;
	_ =	swait.ge [sflag:s24], $0x4000  }
0x3d: {  	p0 =	por $0x1, $0x1;
	s26 =	sadd.s32 $0x20, s12;
	[sflag:s24] =	ssyncset.done $0x0  }
.LBB2_3:
0x3e: {  	p1 =	sne.s32 s28, $0x1;
	s29 =	sadd.s32 s26, s5;
	[sflag:s24] =	ssyncadd.s32 $0xFFFFC000  }
0x3f: {  	[tilespmem:s3], [sflag:$0x1] =	stream.linear.gather [hbm4b:s29+s3], $0x80, $0x38;
	[tilespmem:$0x1C200] =	vst v63  }
0x40: {  	s28 =	sadd.s32 $0xFFFFFFFF, s28;
	s30 =	sor.u32 $0x10, s26;
	s29 =	sadd.s32 s26, s6  }
0x41: {  	[tilespmem:s15], [sflag:$0x1] =	stream.linear.gather [hbm4b:s29+s3], $0x80, $0x38;
	[tilespmem:$0x1C200] =	vst v63  }
0x42: {  	s29 =	sadd.s32 s5, s30  }
0x43: {  	[tilespmem:s16], [sflag:$0x1] =	stream.linear.gather [hbm4b:s29+s3], $0x80, $0x38;
	[tilespmem:$0x1C200] =	vst v63  }
0x44: {  	s29 =	sadd.s32 s6, s30  }
0x45: {  	[tilespmem:s17], [sflag:$0x1] =	stream.linear.gather [hbm4b:s29+s3], $0x80, $0x38;
	[tilespmem:$0x1C200] =	vst v63  }
0x46: {  	_ =	swait.ge [sflag:s18], $0x80  }
0x47: {  	[sflag:s18] =	ssyncset.done $0x0  }
0x48: {  	[sflag:s18] =	ssyncadd.s32 $0xFFFFFF80  }
0x49: {  	_ =	swait.ge [sflag:s18], $0x80  }
0x4a: {  	[sflag:s18] =	ssyncset.done $0x0  }
0x4b: {  	[sflag:s18] =	ssyncadd.s32 $0xFFFFFF80  }
0x4c: {  	_ =	swait.ge [sflag:s18], $0x80  }
0x4d: {  	[sflag:s18] =	ssyncset.done $0x0  }
0x4e: {  	[sflag:s18] =	ssyncadd.s32 $0xFFFFFF80  }
0x4f: {  	_ =	swait.ge [sflag:s18], $0x80  }
0x50: {  	[sflag:s18] =	ssyncset.done $0x0  }
0x51: {  	[sflag:s18] =	ssyncadd.s32 $0xFFFFFF80  }
0x52: {  	[tilespmem:s19], [sflag:$0x2] =	stream.indirect.gather [hbm4b:s4+s16], $0x80, s3, s16, $0xb8;
	[tilespmem:$0x1C200] =	vst v63  }
0x53: {  	_ = 	snop  }
0x54: {  	[tilespmem:s20], [sflag:$0x3] =	stream.indirect.gather [hbm4b:s4+s16], $0x80, s16, s16, $0xb8;
	[tilespmem:$0x1C200] =	vst v63  }
0x55: {  	_ =	swait.ge [sflag:s21], $0x4000  }
0x56: {  	[sflag:s21] =	ssyncset.done $0x0  }
0x57: {  	[sflag:s21] =	ssyncadd.s32 $0xFFFFC000  }
0x58: {  	_ =	swait.ge [sflag:s22], $0x4000  }
0x59: {  	[sflag:s22] =	ssyncset.done $0x0  }
0x5a: {  	[sflag:s22] =	ssyncadd.s32 $0xFFFFC000  }
0x5b: {  	[spmem:s2] =	stream.indirect.scatter.add.f32 [tilespmem:s19], [sflag:$0x4], $0x80, s15, s16, $0xb8;
	[tilespmem:$0x1C200] =	vst v63  }
0x5c: {  	_ = 	snop  }
0x5d: {  	[spmem:s2] =	stream.indirect.scatter.add.f32 [tilespmem:s20], [sflag:$0x5], $0x80, s17, s16, $0xb8;
	[tilespmem:$0x1C200] =	vst v63  }
.Ltmp2:
0x5e: {  	_ =	swait.ge [sflag:s23], $0x4000;
	(pc) =	sbr.rel @p1 .LBB2_3-.Ltmp2, $4  }
0x5f: {  	[sflag:s23] =	ssyncset.done $0x0  }
0x60: {  	[sflag:s23] =	ssyncadd.s32 $0xFFFFC000  }
0x61: {  	_ =	swait.ge [sflag:s24], $0x4000  }
0x62: {  	s26 =	sadd.s32 $0x20, s26;
	[sflag:s24] =	ssyncset.done $0x0  }
.LBB2_4:
0x63: {  	s28 =	sadd.s32 s26, s5;
	[sflag:s24] =	ssyncadd.s32 @p0 $0xFFFFC000  }
0x64: {  	[tilespmem:s3], [sflag:$0x1] =	stream.linear.gather [hbm4b:s28+s3], $0x80, $0x38;
	[tilespmem:$0x1C200] =	vst v63  }
0x65: {  	s29 =	sadd.s32 s26, s6;
	s30 =	sor.u32 $0x10, s26  }
0x66: {  	[tilespmem:s15], [sflag:$0x1] =	stream.linear.gather [hbm4b:s29+s3], $0x80, $0x38;
	[tilespmem:$0x1C200] =	vst v63  }
0x67: {  	s31 =	sadd.s32 s5, s30  }
0x68: {  	[tilespmem:s16], [sflag:$0x1] =	stream.linear.gather [hbm4b:s31+s3], $0x80, $0x38;
	[tilespmem:$0x1C200] =	vst v63  }
0x69: {  	s26 =	sadd.s32 s6, s30  }
0x6a: {  	[tilespmem:s17], [sflag:$0x1] =	stream.linear.gather [hbm4b:s26+s3], $0x80, $0x38;
	[tilespmem:$0x1C200] =	vst v63  }
0x6b: {  	_ =	swait.ge [sflag:s18], $0x80  }
0x6c: {  	[sflag:s18] =	ssyncset.done $0x0  }
0x6d: {  	[sflag:s18] =	ssyncadd.s32 $0xFFFFFF80  }
0x6e: {  	_ =	swait.ge [sflag:s18], $0x80  }
0x6f: {  	[sflag:s18] =	ssyncset.done $0x0  }
0x70: {  	[sflag:s18] =	ssyncadd.s32 $0xFFFFFF80  }
0x71: {  	_ =	swait.ge [sflag:s18], $0x80  }
0x72: {  	[sflag:s18] =	ssyncset.done $0x0  }
0x73: {  	[sflag:s18] =	ssyncadd.s32 $0xFFFFFF80  }
0x74: {  	_ =	swait.ge [sflag:s18], $0x80  }
0x75: {  	[sflag:s18] =	ssyncset.done $0x0  }
0x76: {  	[sflag:s18] =	ssyncadd.s32 $0xFFFFFF80  }
0x77: {  	[tilespmem:s19], [sflag:$0x2] =	stream.indirect.gather [hbm4b:s4+s16], $0x80, s3, s16, $0xb8;
	[tilespmem:$0x1C200] =	vst v63  }
0x78: {  	_ = 	snop  }
0x79: {  	[tilespmem:s20], [sflag:$0x3] =	stream.indirect.gather [hbm4b:s4+s16], $0x80, s16, s16, $0xb8;
	[tilespmem:$0x1C200] =	vst v63  }
0x7a: {  	_ =	swait.ge [sflag:s21], $0x4000  }
0x7b: {  	[sflag:s21] =	ssyncset.done $0x0  }
0x7c: {  	[sflag:s21] =	ssyncadd.s32 $0xFFFFC000  }
0x7d: {  	_ =	swait.ge [sflag:s22], $0x4000  }
0x7e: {  	[sflag:s22] =	ssyncset.done $0x0  }
0x7f: {  	[sflag:s22] =	ssyncadd.s32 $0xFFFFC000  }
0x80: {  	[spmem:s2] =	stream.indirect.scatter.add.f32 [tilespmem:s19], [sflag:$0x4], $0x80, s15, s16, $0xb8;
	[tilespmem:$0x1C200] =	vst v63  }
0x81: {  	_ = 	snop  }
0x82: {  	[spmem:s2] =	stream.indirect.scatter.add.f32 [tilespmem:s20], [sflag:$0x5], $0x80, s17, s16, $0xb8;
	[tilespmem:$0x1C200] =	vst v63  }
0x83: {  	_ =	swait.ge [sflag:s23], $0x4000  }
0x84: {  	[sflag:s23] =	ssyncset.done $0x0  }
0x85: {  	[sflag:s23] =	ssyncadd.s32 $0xFFFFC000  }
0x86: {  	_ =	swait.ge [sflag:s24], $0x4000  }
0x87: {  	s25 =	sadd.s32 $0x1, s25;
	[sflag:s24] =	ssyncset.done $0x0  }
0x88: {  	p0 =	sne.s32 s25, s11;
	[sflag:s24] =	ssyncadd.s32 $0xFFFFC000  }
.Ltmp3:
0x89: {  	[bflag:$0x0] =	sbarrier.arrive $0xFFFF;
	(pc) =	sbr.rel @p0 .LBB2_1-.Ltmp3, $4  }
0x8a: {  	[hbm:s10], [sflag:s8] =	dma.local [spmem:s13], $0x2800  }
0x8b: {  	_ =	swait.ge [sflag:s14], $0x2800  }
0x8c: {  	[sflag:s14] =	ssyncset.done $0x0  }
0x8d: {  	[sflag:s14] =	ssyncadd.s32 $0xFFFFD800  }
0x8e: {  	_ =	sfence.sel $0x180000  }
0x8f: {  	[bflag:$0x0] =	sbarrier.arrive $0xFFFF  }
0x90: {  	p0 =	sne.s32 s1, $0x0;
	_ =	strace $0x9000004D  }
0x91: {  	s0 =	sadd.s32 @!p0 $0x100000, s0;
	[bflag:$0x2] =	sbarrier.arrive $0xFFFF  }
0x92: {  	[sflag:s0] =	ssyncadd.tile.s32 @!p0 $0x1;
	_ =	shalt  }
.Lfunc_end2:
_tile_overlayer_lowered:
.L_overlay_start_2:
0x93: {  	(tag) =	ssettag $0x2  }
0x94: {  	s0 =	rddreg [dreg:$0x0];
	s2 =	stileid.u32  }
0x95: {  	s1 =	rddreg [dreg:$0x1];
	p0 =	sne.s32 s2, $0x0  }
0x96: {  	s3 =	rddreg [dreg:$0x2];
	[bflag:$0x3] =	sbarrier.arrive $0xFFFF;
	s2 =	simm.s32 @!p0 $0x1C06  }
0x97: {  	[timem:s3], [sflag:s2] =	dma.local @!p0 [hbm:s0], s1  }
0x98: {  	s0 =	simm.s32 @!p0 $0x6  }
0x99: {  	_ =	swait.ge @!p0 [sflag:s0], s1  }
0x9a: {  	s1 =	ssub.s32 @!p0 $0x0, s1;
	[sflag:s0] =	ssyncset.done @!p0 $0x0  }
0x9b: {  	[sflag:s0] =	ssyncadd.s32 @!p0 s1  }
0x9c: {  	[bflag:$0x3] =	sbarrier.arrive $0xFFFF  }
0x9d: {  	_ =	shalt  }

// kernel: kernel.9.cloned.1.call-start
scs
__scs_entry_jumppad:
0x0: {  	(pc) =	sbr.rel $0x88, $3  }
0x1: {  	(tag) =	ssettag $0x0;
	lr =	simm.s32 $0x1  }
0x2: {  	[smem:$0x3F93] =	sst lr;
	_ =	strace $0xD0000000  }
0x3: {  	_ = 	snop  }
0x4: {  	_ = 	snop  }
0x5: {  	_ = 	snop  }
0x6: {  	_ = 	snop  }
0x7: {  	_ = 	snop  }
__scs_overlays_trampoline_lowered:
0x8: {  	[smem:$0x3FA2] =	sst s0  }
0x9: {  	[smem:$0x3FA3] =	sst s1  }
0xa: {  	[smem:$0x3FA4] =	sst s2  }
0xb: {  	[smem:$0x3FA5] =	sst s3  }
0xc: {  	[smem:$0x3FA6] =	sst s4  }
0xd: {  	[smem:$0x3FA7] =	sst s5  }
0xe: {  	[smem:$0x3FA8] =	sst s6  }
0xf: {  	[smem:$0x3FA9] =	sst s7  }
0x10: {  	[smem:$0x3FAA] =	sst s8  }
0x11: {  	[smem:$0x3FAB] =	sst s9;
	s0 =	simm.s32 @!p0 $0x0  }
0x12: {  	s1 =	sld [smem:$0x3F91];
	s0 =	simm.s32 @p0 $0x1  }
0x13: {  	[smem:$0x3FAC] =	sst s0;
	s0 =	simm.s32 @!p1 $0x0  }
0x14: {  	s2 =	sld [smem:$0x3F90];
	s0 =	simm.s32 @p1 $0x1  }
0x15: {  	[smem:$0x3FAD] =	sst s0;
	s0 =	simm.s32 @!p2 $0x0  }
0x16: {  	s3 =	sld [smem:$0x3FDB];
	s0 =	simm.s32 @p2 $0x1  }
0x17: {  	s4 =	simm.s32 $0x1BF5;
	[smem:$0x3FAF] =	sst s0  }
0x18: {  	s0 =	sld [smem:$0x3F92];
	_ =	swait.ge [sflag:s4], $0x0  }
0x19: {  	s7 =	sld [smem:$0x3F93]  }
0x1a: {  	s8 =	sadd.s32 $0xFFFFE003, lr  }
0x1b: {  	s9 =	sadd.s32 $0xFFFFFEF7, lr;
	s5 =	simm.s32 $0xFFFFFFFF;
	p2 =	slt.u32 s8, $0xFFFFF086  }
0x1c: {  	p1 =	slt.u32 s9, $0xF7A;
	s5 =	simm.s32 @!p2 $0x0  }
0x1d: {  	s5 =	simm.s32 @p1 $0x1;
	p0 =	seq.s32 s7, s2  }
0x1e: {  	s7 =	smul.u32 @!p0 $0xF7A, s2;
	p2 =	seq.s32 @!p0 s5, $0x0  }
0x1f: {  	s9 =	smul.u32 $0xF7A, s1;
	s8 =	simm.s32 @!p0 $0x1BF5;
	p2 =	por !p2, p0  }
0x20: {  	[sflag:s8] =	ssyncset.s32 @!p0 $0xFFFFF086;
	s6 =	sadd.s32 @!p0 s3, s7;
	s7 =	simm.s32 @!p0 $0x108  }
0x21: {  	s3 =	sadd.s32 s3, s9;
	s6 =	sadd.s32 @!p0 $0x88, s6;
	s7 =	simm.s32 @p2 $0x1082  }
0x22: {  	[simem:s7], [sflag:s8] =	dma.local @!p0 [hbm:s6], $0xF7A  }
0x23: {  	s9 =	sor.u32 $0xD0000000, s2;
	s6 =	simm.s32 $0x108;
	_ =	swait.ge @!p0 [sflag:s8], $0x0  }
0x24: {  	s3 =	sadd.s32 $0x88, s3;
	s6 =	simm.s32 @!p1 $0x1082;
	[sflag:s4] =	ssyncset.s32 $0xFFFFF086  }
0x25: {  	[simem:s6], [sflag:s4] =	dma.local [hbm:s3], $0xF7A  }
0x26: {  	[smem:$0x3F93] =	sst s1;
	(tag) =	ssettag s2;
	_ =	strace s9  }
0x27: {  	s1 =	sld [smem:$0x3FA3]  }
0x28: {  	s2 =	sld [smem:$0x3FA4]  }
0x29: {  	s4 =	sld [smem:$0x3FA6]  }
0x2a: {  	p0 =	seq.s32 s5, $0x0;
	s5 =	sld [smem:$0x3FA7]  }
0x2b: {  	s6 =	sld [smem:$0x3FA8]  }
0x2c: {  	s7 =	sld [smem:$0x3FA9]  }
0x2d: {  	s3 =	simm.s32 $0x108;
	s8 =	sld [smem:$0x3FAA]  }
0x2e: {  	s3 =	simm.s32 @!p0 $0x1082;
	s9 =	sld [smem:$0x3FAB]  }
0x2f: {  	lr =	sadd.s32 s0, s3;
	s0 =	sld [smem:$0x3FA2]  }
0x30: {  	s3 =	sld [smem:$0x3FA5]  }
0x31: {  	[smem:$0x3FAE] =	sst s10  }
0x32: {  	s10 =	sld [smem:$0x3FAC];
	_ =	sdelay $0x3  }
0x33: {  	p0 =	seq.s32 s10, $0x1;
	s10 =	sld [smem:$0x3FAE];
	_ =	sdelay $0x3  }
0x34: {  	[smem:$0x3FAE] =	sst s10  }
0x35: {  	s10 =	sld [smem:$0x3FAD];
	_ =	sdelay $0x3  }
0x36: {  	p1 =	seq.s32 s10, $0x1;
	s10 =	sld [smem:$0x3FAE];
	_ =	sdelay $0x3  }
0x37: {  	[smem:$0x3FAE] =	sst s10  }
0x38: {  	s10 =	sld [smem:$0x3FAF]  }
0x39: {  	_ = 	snop;
	(pc) =	sbr.ind lr, $3  }
0x3a: {  	_ = 	snop  }
0x3b: {  	_ = 	snop  }
0x3c: {  	p2 =	seq.s32 s10, $0x1;
	s10 =	sld [smem:$0x3FAE]  }
0x3d: {  	_ =	shalt  }
0x3e: {  	_ =	shalt  }
0x3f: {  	_ =	shalt  }
0x40: {  	_ =	shalt  }
0x41: {  	_ =	shalt  }
0x42: {  	_ =	shalt  }
0x43: {  	_ =	shalt  }
0x44: {  	_ =	shalt  }
0x45: {  	_ =	shalt  }
0x46: {  	_ =	shalt  }
0x47: {  	_ =	shalt  }
0x48: {  	_ =	shalt  }
0x49: {  	_ =	shalt  }
0x4a: {  	_ =	shalt  }
0x4b: {  	_ =	shalt  }
0x4c: {  	_ =	shalt  }
0x4d: {  	_ =	shalt  }
0x4e: {  	_ =	shalt  }
0x4f: {  	_ =	shalt  }
0x50: {  	_ =	shalt  }
0x51: {  	_ =	shalt  }
0x52: {  	_ =	shalt  }
0x53: {  	_ =	shalt  }
0x54: {  	_ =	shalt  }
0x55: {  	_ =	shalt  }
0x56: {  	_ =	shalt  }
0x57: {  	_ =	shalt  }
0x58: {  	_ =	shalt  }
0x59: {  	_ =	shalt  }
0x5a: {  	_ =	shalt  }
0x5b: {  	_ =	shalt  }
0x5c: {  	_ =	shalt  }
0x5d: {  	_ =	shalt  }
0x5e: {  	_ =	shalt  }
0x5f: {  	_ =	shalt  }
0x60: {  	_ =	shalt  }
0x61: {  	_ =	shalt  }
0x62: {  	_ =	shalt  }
0x63: {  	_ =	shalt  }
0x64: {  	_ =	shalt  }
0x65: {  	_ =	shalt  }
0x66: {  	_ =	shalt  }
0x67: {  	_ =	shalt  }
0x68: {  	_ =	shalt  }
0x69: {  	_ =	shalt  }
0x6a: {  	_ =	shalt  }
0x6b: {  	_ =	shalt  }
0x6c: {  	_ =	shalt  }
0x6d: {  	_ =	shalt  }
0x6e: {  	_ =	shalt  }
0x6f: {  	_ =	shalt  }
0x70: {  	_ =	shalt  }
0x71: {  	_ =	shalt  }
0x72: {  	_ =	shalt  }
0x73: {  	_ =	shalt  }
0x74: {  	_ =	shalt  }
0x75: {  	_ =	shalt  }
0x76: {  	_ =	shalt  }
0x77: {  	_ =	shalt  }
0x78: {  	_ =	shalt  }
0x79: {  	_ =	shalt  }
0x7a: {  	_ =	shalt  }
0x7b: {  	_ =	shalt  }
0x7c: {  	_ =	shalt  }
0x7d: {  	_ =	shalt  }
0x7e: {  	_ =	shalt  }
0x7f: {  	_ =	shalt  }
0x80: {  	_ =	shalt  }
0x81: {  	_ =	shalt  }
0x82: {  	_ =	shalt  }
0x83: {  	_ =	shalt  }
0x84: {  	_ =	shalt  }
0x85: {  	_ =	shalt  }
0x86: {  	_ =	shalt  }
0x87: {  	_ =	shalt  }
.Lfunc_end0:
.L_simem_size_0:
called_computation_lowered:
.L_overlay_start_0:
0x88: {  	s2 =	sld [smem:$0x3FD9]  }
0x89: {  	s3 =	sld [smem:$0x3FFE];
	_ =	sdelay $0x1  }
0x8a: {  	s1 =	srdreg.scid  }
0x8b: {  	s0 =	sand.u32 $0x1, s1  }
0x8c: {  	s16 =	sshll.u32 s0, $0xA;
	s2 =	sadd.s32 s3, s2  }
0x8d: {  	s2 =	sadd.s32 s2, s16  }
0x8e: {  	[smem:$0x3FBA] =	sst s2  }
0x8f: {  	_ = 	snop  }
0x90: {  	(tm) =	ssettm $0x1  }
0x91: {  	s17 =	sld [smem:$0x3FFB];
	_ =	sdelay $0x3  }
0x92: {  	_ =	strace s17  }
0x93: {  	s2 =	sld [smem:$0x3FFC];
	_ =	sdelay $0x3  }
0x94: {  	_ =	strace s2  }
0x95: {  	s2 =	sld [smem:$0x3FFD];
	_ =	sdelay $0x3  }
0x96: {  	_ =	strace s2  }
0x97: {  	_ =	strace $0x8FFFFFFF  }
0x98: {  	s18 =	sld [smem:$0x3FDB];
	_ =	sdelay $0x1  }
0x99: {  	s19 =	simm.s32 $_scs_section_size  }
0x9a: {  	s4 =	simm.s32 $_size__tile_overlayer_lowered;
	s5 =	simm.s32 $_tile_overlayer_lowered  }
0x9b: {  	s22 =	simm.s32 $0x1BFF;
	s21 =	sshll.u32 s5, $0x1;
	s2 =	sadd.s32 s19, s18  }
0x9c: {  	s6 =	simm.s32 $0x0;
	s20 =	sshll.u32 s4, $0x1;
	s4 =	sadd.s32 s21, s2  }
0x9d: {  	[timem:s6], [sflag:s22] =	dma.local [hbm:s4], s20  }
0x9e: {  	_ =	swait.ge [sflag:s22], s20  }
0x9f: {  	s3 =	ssub.s32 $0x0, s20;
	[sflag:s22] =	ssyncset.done $0x0  }
0xa0: {  	[sflag:s22] =	ssyncadd.s32 s3;
	_ =	sdelay $0x1  }
0xa1: {  	s23 =	simm.s32 $0x1B8B  }
0xa2: {  	_ =	swait.ge [sflag:s23], $0x1  }
0xa3: {  	[sflag:s23] =	ssyncset.done $0x0  }
0xa4: {  	s25 =	simm.s32 $0x1B8E;
	s24 =	sld [smem:$0x3FFE];
	[sflag:s23] =	ssyncadd.s32 $0xFFFFFFFF  }
0xa5: {  	s26 =	simm.s32 $execute0_lowered;
	[smem:$0x3FD2] =	sst s25  }
0xa6: {  	s4 =	sshll.u32 s26, $0x1;
	_ =	strace $0x80000046;
	[dreg:$0x1] =	wrdreg $0xFFFFFFFF  }
0xa7: {  	s28 =	simm.s32 $_size_execute0_lowered;
	s2 =	sadd.s32 s2, s4;
	[dreg:$0x0] =	wrdreg $0x0  }
0xa8: {  	s4 =	sshll.u32 s28, $0x1;
	[dreg:$0x2] =	wrdreg s2  }
0xa9: {  	[dreg:$0x3] =	wrdreg s4  }
0xaa: {  	[dreg:$0x4] =	wrdreg $0xC0  }
0xab: {  	_ =	task [dreg:s6], $0x5FFFF  }
0xac: {  	[dreg:$0x1] =	wrdreg $0xFFFFFFFF  }
0xad: {  	[dreg:$0x0] =	wrdreg $0x60  }
0xae: {  	[dreg:$0x2] =	wrdreg s24  }
0xaf: {  	[dreg:$0x3] =	wrdreg $0x82000  }
0xb0: {  	[dreg:$0x4] =	wrdreg $0x9  }
0xb1: {  	_ =	task.clear_ibuf [dreg:s6], $0x5FFFF;
	_ =	strace $0x90000046  }
0xb2: {  	s29 =	simm.s32 $0x9;
	_ =	strace $0x80000048  }
0xb3: {  	_ =	swait.ge [sflag:s29], $0x1  }
0xb4: {  	[sflag:s29] =	ssyncadd.s32 $0xFFFFFFFF  }
0xb5: {  	_ =	strace $0x90000048  }
0xb6: {  	_ =	sfence  }
0xb7: {  	s30 =	sld [smem:$0x0];
	_ =	sdelay $0x2  }
0xb8: {  	s31 =	sshll.u32 s1, $0xD;
	s1 =	sshrl.u32 s1, $0x2  }
0xb9: {  	s3 =	sand.u32 $0x4000, s31;
	s1 =	sadd.s32 s1, s30  }
0xba: {  	s0 =	sor.u32 s3, s0;
	s1 =	sshll.u32 s1, $0x11  }
0xbb: {  	s0 =	sor.u32 s1, s0  }
0xbc: {  	s0 =	sadd.s32 $0x8F2B, s0  }
0xbd: {  	[sflag:s0] =	ssyncadd.remote.s32 $0x1  }
0xbe: {  	_ =	sfence.sel $0xFFFF  }
0xbf: {  	[dreg:$0x0] =	wrdreg $0xFFFFFFFF;
	(pc) =	sbr.abs _section_cstart, $3  }
0xc0: {  	[dreg:$0x1] =	wrdreg $0xFFFFFFFF  }
0xc1: {  	_ =	task.clear_ibuf [dreg:s6], $0x2FFFF;
	_ =	strace $0x9FFFFFFF  }
0xc2: {  	(tm) =	ssettm $0x7FFFFFFF  }
0xc3: {  	_ =	shalt  }
tec
execute0_lowered:
.L_overlay_start_1:
0x0: {  	(tag) =	ssettag $0x1  }
0x1: {  	s7 =	rddreg [dreg:$0x0]  }
0x2: {  	s1 =	rddreg [dreg:$0x1]  }
0x3: {  	s2 =	srdreg.scid;
	s0 =	rddreg [dreg:$0x2];
	s3 =	simm.s32 $0x0  }
0x4: {  	s14 =	simm.s32 $0x4200;
	s15 =	simm.s32 $0x100;
	s16 =	simm.s32 $0x80  }
0x5: {  	s17 =	simm.s32 $0x180;
	s18 =	simm.s32 $0x1;
	s19 =	simm.s32 $0x2  }
0x6: {  	s20 =	simm.s32 $0x3;
	s8 =	sand.u32 $0x1, s2;
	s2 =	stileid.u32  }
0x7: {  	s21 =	simm.s32 $0x0;
	[smem:$0x7FF] =	sst s3;
	s6 =	smul.u32 $0x140000, s8  }
0x8: {  	s4 =	sadd.s32 $0xC600, s7;
	s5 =	sadd.s32 $0x16600, s7;
	s9 =	smul.u32 $0x14000, s2  }
0x9: {  	_ =	strace $0x80000047;
	s10 =	ssub.s32 $0x2, s8;
	s11 =	smul.u32 $0x50000, s2  }
0xa: {  	s30 =	smul.u32 $0x5000, s8;
	s31 =	sshll.u32 s2, $0x6;
	s28 =	sshrl.u32 s10, $0x1  }
0xb: {  	s13 =	smul.u32 $0x500, s2;
	s6 =	sadd.s32 s9, s6;
	s10 =	ssub.s32 s10, s28  }
0xc: {  	s29 =	sshrl.u32 s11, $0x2;
	s9 =	sshrl.u32 s6, $0x3;
	s6 =	sadd.s32 $0x18E00, s7  }
0xd: {  	s12 =	sadd.s32 s29, s1;
	s9 =	sadd.s32 s9, s7;
	s7 =	sor.u32 $0x1C04, s31  }
0xe: {  	s11 =	sshrl.u32 s12, $0x3;
	s12 =	simm.s32 $0x4;
	s8 =	sadd.s32 $0x19800, s9  }
0xf: {  	s9 =	smax.u32 s10, $0x1;
	s10 =	sadd.s32 s13, s30;
	s13 =	simm.s32 $0x200  }
.LBB2_1:
0x10: {  	[spmem:s11], [sflag:s7] =	dma.local [hbm:s5], $0x2800  }
0x11: {  	_ =	swait.ge [sflag:s12], $0x2800  }
0x12: {  	[sflag:s12] =	ssyncset.done $0x0  }
0x13: {  	[sflag:s12] =	ssyncadd.s32 $0xFFFFD800  }
0x14: {  	[tilespmem:s13], [sflag:$0x4] =	stream.linear.gather [hbm4b:s6+s3], $0x4000, $0x38;
	[tilespmem:$0x1C200] =	vst v63  }
0x15: {  	_ =	swait.ge [sflag:s12], $0x4000  }
0x16: {  	[sflag:s12] =	ssyncset.done $0x0  }
0x17: {  	[sflag:s12] =	ssyncadd.s32 $0xFFFFC000  }
0x18: {  	[tilespmem:s14], [sflag:$0x4] =	stream.linear.gather [hbm4b:s6+s3], $0x4000, $0x38;
	[tilespmem:$0x1C200] =	vst v63  }
0x19: {  	_ =	swait.ge [sflag:s12], $0x4000  }
0x1a: {  	s22 =	sadd.s32 $0x0, s10;
	s23 =	sand.u32 $0x60, s3;
	[sflag:s12] =	ssyncset.done $0x0  }
0x1b: {  	s22 =	sand.u32 $0x1FF80, s22;
	s23 =	sadd.s32 s4, s23;
	[sflag:s12] =	ssyncadd.s32 $0xFFFFC000  }
0x1c: {  	s22 =	sadd.s32 s22, s23;
	[bflag:$0x0] =	sbarrier.arrive $0xFFFF  }
0x1d: {  	[tilespmem:s3], [sflag:$0x1] =	stream.linear.gather [hbm4b:s22+s3], $0x80, $0x38;
	[tilespmem:$0x1C200] =	vst v63  }
0x1e: {  	_ = 	snop  }
0x1f: {  	[tilespmem:s15], [sflag:$0x1] =	stream.linear.gather [hbm4b:s22+s3], $0x80, $0x38;
	[tilespmem:$0x1C200] =	vst v63  }
0x20: {  	s22 =	sadd.s32 $0x10, s22  }
0x21: {  	[tilespmem:s16], [sflag:$0x1] =	stream.linear.gather [hbm4b:s22+s3], $0x80, $0x38;
	[tilespmem:$0x1C200] =	vst v63  }
0x22: {  	_ = 	snop  }
0x23: {  	[tilespmem:s17], [sflag:$0x1] =	stream.linear.gather [hbm4b:s22+s3], $0x80, $0x38;
	[tilespmem:$0x1C200] =	vst v63  }
0x24: {  	_ =	swait.ge [sflag:s18], $0x80  }
0x25: {  	[sflag:s18] =	ssyncset.done $0x0  }
0x26: {  	[sflag:s18] =	ssyncadd.s32 $0xFFFFFF80  }
0x27: {  	_ =	swait.ge [sflag:s18], $0x80  }
0x28: {  	[sflag:s18] =	ssyncset.done $0x0  }
0x29: {  	[sflag:s18] =	ssyncadd.s32 $0xFFFFFF80  }
0x2a: {  	_ =	swait.ge [sflag:s18], $0x80  }
0x2b: {  	[sflag:s18] =	ssyncset.done $0x0  }
0x2c: {  	[sflag:s18] =	ssyncadd.s32 $0xFFFFFF80  }
0x2d: {  	_ =	swait.ge [sflag:s18], $0x80  }
0x2e: {  	[sflag:s18] =	ssyncset.done $0x0  }
0x2f: {  	[sflag:s18] =	ssyncadd.s32 $0xFFFFFF80  }
0x30: {  	[spmem:s1] =	stream.indirect.scatter.add.f32 [tilespmem:s13], [sflag:$0x2], $0x80, s15, s16, $0xb8;
	[tilespmem:$0x1C200] =	vst v63  }
0x31: {  	_ = 	snop  }
0x32: {  	[spmem:s1] =	stream.indirect.scatter.add.f32 [tilespmem:s14], [sflag:$0x3], $0x80, s17, s16, $0xb8;
	[tilespmem:$0x1C200] =	vst v63  }
0x33: {  	_ =	swait.ge [sflag:s19], $0x4000  }
0x34: {  	[sflag:s19] =	ssyncset.done $0x0  }
0x35: {  	s31 =	simm.s32 $0x20;
	s24 =	sadd.s32 $0x20, s10;
	[sflag:s19] =	ssyncadd.s32 $0xFFFFC000  }
0x36: {  	s25 =	sand.u32 $0x60, s31;
	s23 =	sand.u32 $0x1FF80, s24;
	_ =	swait.ge [sflag:s20], $0x4000  }
0x37: {  	s24 =	sadd.s32 s4, s25;
	s22 =	simm.s32 $0x40;
	[sflag:s20] =	ssyncset.done $0x0  }
.LBB2_2:
0x38: {  	s23 =	sadd.s32 s23, s24  }
0x39: {  	[sflag:s20] =	ssyncadd.s32 $0xFFFFC000;
	s24 =	smov.u32 s22;
	s25 =	sadd.s32 $0x20, s22  }
0x3a: {  	[tilespmem:s3], [sflag:$0x1] =	stream.linear.gather [hbm4b:s23+s3], $0x80, $0x38;
	[tilespmem:$0x1C200] =	vst v63  }
0x3b: {  	p0 =	sne.s32 s22, $0x4E0  }
0x3c: {  	[tilespmem:s15], [sflag:$0x1] =	stream.linear.gather [hbm4b:s23+s3], $0x80, $0x38;
	[tilespmem:$0x1C200] =	vst v63  }
0x3d: {  	s22 =	sadd.s32 $0x10, s23  }
0x3e: {  	[tilespmem:s16], [sflag:$0x1] =	stream.linear.gather [hbm4b:s22+s3], $0x80, $0x38;
	[tilespmem:$0x1C200] =	vst v63  }
0x3f: {  	_ = 	snop  }
0x40: {  	[tilespmem:s17], [sflag:$0x1] =	stream.linear.gather [hbm4b:s22+s3], $0x80, $0x38;
	[tilespmem:$0x1C200] =	vst v63  }
0x41: {  	_ =	swait.ge [sflag:s18], $0x80  }
0x42: {  	[sflag:s18] =	ssyncset.done $0x0  }
0x43: {  	[sflag:s18] =	ssyncadd.s32 $0xFFFFFF80  }
0x44: {  	_ =	swait.ge [sflag:s18], $0x80  }
0x45: {  	[sflag:s18] =	ssyncset.done $0x0  }
0x46: {  	[sflag:s18] =	ssyncadd.s32 $0xFFFFFF80  }
0x47: {  	_ =	swait.ge [sflag:s18], $0x80  }
0x48: {  	[sflag:s18] =	ssyncset.done $0x0  }
0x49: {  	[sflag:s18] =	ssyncadd.s32 $0xFFFFFF80  }
0x4a: {  	_ =	swait.ge [sflag:s18], $0x80  }
0x4b: {  	[sflag:s18] =	ssyncset.done $0x0  }
0x4c: {  	[sflag:s18] =	ssyncadd.s32 $0xFFFFFF80  }
0x4d: {  	[spmem:s1] =	stream.indirect.scatter.add.f32 [tilespmem:s13], [sflag:$0x2], $0x80, s15, s16, $0xb8;
	[tilespmem:$0x1C200] =	vst v63  }
0x4e: {  	_ = 	snop  }
0x4f: {  	[spmem:s1] =	stream.indirect.scatter.add.f32 [tilespmem:s14], [sflag:$0x3], $0x80, s17, s16, $0xb8;
	[tilespmem:$0x1C200] =	vst v63  }
.Ltmp0:
0x50: {  	_ =	swait.ge [sflag:s19], $0x4000;
	(pc) =	sbr.rel @p0 .LBB2_2-.Ltmp0, $4  }
0x51: {  	[sflag:s19] =	ssyncset.done $0x0  }
0x52: {  	s22 =	sadd.s32 s24, s10;
	[sflag:s19] =	ssyncadd.s32 $0xFFFFC000  }
0x53: {  	s24 =	sand.u32 $0x60, s24;
	s23 =	sand.u32 $0x1FF80, s22;
	_ =	swait.ge [sflag:s20], $0x4000  }
0x54: {  	s24 =	sadd.s32 s4, s24;
	s22 =	smov.u32 s25;
	[sflag:s20] =	ssyncset.done $0x0  }
0x55: {  	s22 =	sadd.s32 s23, s24;
	[sflag:s20] =	ssyncadd.s32 $0xFFFFC000  }
0x56: {  	[tilespmem:s3], [sflag:$0x1] =	stream.linear.gather [hbm4b:s22+s3], $0x80, $0x38;
	[tilespmem:$0x1C200] =	vst v63  }
0x57: {  	_ = 	snop  }
0x58: {  	[tilespmem:s15], [sflag:$0x1] =	stream.linear.gather [hbm4b:s22+s3], $0x80, $0x38;
	[tilespmem:$0x1C200] =	vst v63  }
0x59: {  	s22 =	sadd.s32 $0x10, s22  }
0x5a: {  	[tilespmem:s16], [sflag:$0x1] =	stream.linear.gather [hbm4b:s22+s3], $0x80, $0x38;
	[tilespmem:$0x1C200] =	vst v63  }
0x5b: {  	_ = 	snop  }
0x5c: {  	[tilespmem:s17], [sflag:$0x1] =	stream.linear.gather [hbm4b:s22+s3], $0x80, $0x38;
	[tilespmem:$0x1C200] =	vst v63  }
0x5d: {  	_ =	swait.ge [sflag:s18], $0x80  }
0x5e: {  	[sflag:s18] =	ssyncset.done $0x0  }
0x5f: {  	[sflag:s18] =	ssyncadd.s32 $0xFFFFFF80  }
0x60: {  	_ =	swait.ge [sflag:s18], $0x80  }
0x61: {  	[sflag:s18] =	ssyncset.done $0x0  }
0x62: {  	[sflag:s18] =	ssyncadd.s32 $0xFFFFFF80  }
0x63: {  	_ =	swait.ge [sflag:s18], $0x80  }
0x64: {  	[sflag:s18] =	ssyncset.done $0x0  }
0x65: {  	[sflag:s18] =	ssyncadd.s32 $0xFFFFFF80  }
0x66: {  	_ =	swait.ge [sflag:s18], $0x80  }
0x67: {  	[sflag:s18] =	ssyncset.done $0x0  }
0x68: {  	[sflag:s18] =	ssyncadd.s32 $0xFFFFFF80  }
0x69: {  	[spmem:s1] =	stream.indirect.scatter.add.f32 [tilespmem:s13], [sflag:$0x2], $0x80, s15, s16, $0xb8;
	[tilespmem:$0x1C200] =	vst v63  }
0x6a: {  	_ = 	snop  }
0x6b: {  	[spmem:s1] =	stream.indirect.scatter.add.f32 [tilespmem:s14], [sflag:$0x3], $0x80, s17, s16, $0xb8;
	[tilespmem:$0x1C200] =	vst v63  }
0x6c: {  	_ =	swait.ge [sflag:s19], $0x4000  }
0x6d: {  	[sflag:s19] =	ssyncset.done $0x0  }
0x6e: {  	[sflag:s19] =	ssyncadd.s32 $0xFFFFC000  }
0x6f: {  	_ =	swait.ge [sflag:s20], $0x4000  }
0x70: {  	s21 =	sadd.s32 $0x1, s21;
	[sflag:s20] =	ssyncset.done $0x0  }
0x71: {  	p0 =	sne.s32 s21, s9;
	[sflag:s20] =	ssyncadd.s32 $0xFFFFC000  }
.Ltmp1:
0x72: {  	[bflag:$0x0] =	sbarrier.arrive $0xFFFF;
	(pc) =	sbr.rel @p0 .LBB2_1-.Ltmp1, $4  }
0x73: {  	[hbm:s8], [sflag:s7] =	dma.local [spmem:s11], $0x2800  }
0x74: {  	_ =	swait.ge [sflag:s12], $0x2800  }
0x75: {  	[sflag:s12] =	ssyncset.done $0x0  }
0x76: {  	[sflag:s12] =	ssyncadd.s32 $0xFFFFD800  }
0x77: {  	_ =	sfence.sel $0x180000  }
0x78: {  	[bflag:$0x0] =	sbarrier.arrive $0xFFFF  }
0x79: {  	p0 =	sne.s32 s2, $0x0;
	_ =	strace $0x90000047  }
0x7a: {  	s0 =	sadd.s32 @!p0 $0x100000, s0;
	[bflag:$0x2] =	sbarrier.arrive $0xFFFF  }
0x7b: {  	[sflag:s0] =	ssyncadd.tile.s32 @!p0 $0x1;
	_ =	shalt  }
.Lfunc_end2:
_tile_overlayer_lowered:
.L_overlay_start_2:
0x7c: {  	(tag) =	ssettag $0x2  }
0x7d: {  	s0 =	rddreg [dreg:$0x0];
	s2 =	stileid.u32  }
0x7e: {  	s1 =	rddreg [dreg:$0x1];
	p0 =	sne.s32 s2, $0x0  }
0x7f: {  	s3 =	rddreg [dreg:$0x2];
	[bflag:$0x3] =	sbarrier.arrive $0xFFFF;
	s2 =	simm.s32 @!p0 $0x1C04  }
0x80: {  	[timem:s3], [sflag:s2] =	dma.local @!p0 [hbm:s0], s1  }
0x81: {  	s0 =	simm.s32 @!p0 $0x4  }
0x82: {  	_ =	swait.ge @!p0 [sflag:s0], s1  }
0x83: {  	s1 =	ssub.s32 @!p0 $0x0, s1;
	[sflag:s0] =	ssyncset.done @!p0 $0x0  }
0x84: {  	[sflag:s0] =	ssyncadd.s32 @!p0 s1  }
0x85: {  	[bflag:$0x3] =	sbarrier.arrive $0xFFFF  }
0x86: {  	_ =	shalt  }

</sc_bundles>
